<compile_context>
chip_gen: v7x
topology: tpu7x:2x2x1
jax: 0.10.2.dev20260603
libtpu: 0.0.44.dev20260713+nightly
codegen_flags: <defaults>
</compile_context>

<pallas_src>
import dataclasses
import functools

import jax
import jax.numpy as jnp
import numpy as np
from jax import lax
from jax.experimental import pallas as pl
from jax.experimental.pallas import tpu as pltpu
from jax.experimental.pallas import tpu_sc as plsc

N = 10000
E = 320000
C = 128
H = 4
CH = 32
KH = 32
DE = 16
SHIFT = float(np.log(2.0))
INV_SQRT_KH = float(1.0 / np.sqrt(float(KH)))

NC = 2
NS = 16
NW = NC * NS
NPAD = 10112
EPAD = 327680
EPW = EPAD // NW
BLK = 32
NBLK = EPW // BLK
RPT = NPAD // NS
DENR = 320


def _ssp(x):
    return jnp.maximum(x, 0.0) + jnp.log1p(jnp.exp(-jnp.abs(x))) - SHIFT


def _prep_nodes(node_attr, wq_fold, wkv_cat):
    def body(x_ref, a_ref, b_ref, qp_ref, kv_ref):
        x = x_ref[...]
        qp_ref[...] = jnp.dot(x, a_ref[...], preferred_element_type=jnp.float32)
        kv_ref[...] = jnp.dot(x, b_ref[...], preferred_element_type=jnp.float32)

    return pl.pallas_call(
        body,
        out_shape=(
            jax.ShapeDtypeStruct((NPAD, 128), jnp.float32),
            jax.ShapeDtypeStruct((NPAD, 256), jnp.float32),
        ),
    )(node_attr, wq_fold, wkv_cat)


_BE = 8192


def _prep_edges(edge_attr, w1, b1, bd2, b2):
    def body(ea_ref, w1_ref, b1_ref, bd2_ref, b2_ref, o_ref):
        h = jnp.dot(ea_ref[...], w1_ref[...], preferred_element_type=jnp.float32)
        h = _ssp(h + b1_ref[...])
        o_ref[...] = (
            jnp.dot(h, bd2_ref[...], preferred_element_type=jnp.float32)
            + b2_ref[...]
        )

    return pl.pallas_call(
        body,
        grid=(EPAD // _BE,),
        in_specs=[
            pl.BlockSpec((_BE, DE), lambda i: (i, 0)),
            pl.BlockSpec((DE, 64), lambda i: (0, 0)),
            pl.BlockSpec((1, 64), lambda i: (0, 0)),
            pl.BlockSpec((64, 64), lambda i: (0, 0)),
            pl.BlockSpec((1, 64), lambda i: (0, 0)),
        ],
        out_specs=pl.BlockSpec((_BE, 64), lambda i: (i, 0)),
        out_shape=jax.ShapeDtypeStruct((EPAD, 64), jnp.float32),
    )(edge_attr, w1, b1, bd2, b2)


def _sc_aggregate(qp, kv, wkv, row, col):
    mesh = plsc.VectorSubcoreMesh(core_axis_name="c", subcore_axis_name="s")
    cp = pltpu.CompilerParams()
    if "needs_layout_passes" in pltpu.CompilerParams.__dataclass_fields__:
        cp = dataclasses.replace(cp, needs_layout_passes=False)

    @functools.partial(
        pl.kernel,
        mesh=mesh,
        compiler_params=cp,
        out_type=(
            jax.ShapeDtypeStruct((NC, NPAD, 128), jnp.float32),
            jax.ShapeDtypeStruct((NC, DENR, 128), jnp.float32),
        ),
        scratch_types=[
            pltpu.VMEM((BLK,), jnp.int32),
            pltpu.VMEM((BLK,), jnp.int32),
            pltpu.VMEM((BLK,), jnp.int32),
            pltpu.VMEM((BLK, 128), jnp.float32),
            pltpu.VMEM((BLK, 256), jnp.float32),
            pltpu.VMEM((BLK, 64), jnp.float32),
            pltpu.VMEM((BLK, 128), jnp.float32),
            pltpu.VMEM((BLK, 128), jnp.float32),
            pltpu.VMEM_SHARED((NPAD, 128), jnp.float32),
            pltpu.VMEM_SHARED((DENR, 128), jnp.float32),
            pltpu.SemaphoreType.DMA,
            pltpu.SemaphoreType.DMA,
        ],
    )
    def sck(qp_hbm, kv_hbm, wkv_hbm, row_hbm, col_hbm, out_hbm, den_hbm,
            ridx, cidx, ridx32, qv, kvv, wv, cv, exv, acc, dacc,
            sem1, sem2):
        cid = lax.axis_index("c")
        sid = lax.axis_index("s")
        wid = sid * NC + cid
        io = lax.iota(jnp.int32, 16)
        z16 = jnp.zeros((16,), jnp.float32)

        @pl.loop(0, BLK)
        def _(i):
            for j in range(8):
                cv[i, pl.ds(16 * j, 16)] = z16

        @pl.loop(0, RPT // BLK)
        def _(z):
            zoff = pl.multiple_of(sid * RPT + z * BLK, 8)
            pltpu.sync_copy(cv, acc.at[pl.ds(zoff, BLK)])

        zrem = RPT - (RPT // BLK) * BLK
        if zrem:
            zoff1 = pl.multiple_of(sid * RPT + (RPT // BLK) * BLK, 8)
            pltpu.sync_copy(cv.at[pl.ds(0, zrem)], acc.at[pl.ds(zoff1, zrem)])

        @pl.when(sid < DENR // BLK)
        def _():
            zoff2 = pl.multiple_of(sid * BLK, 8)
            pltpu.sync_copy(cv, dacc.at[pl.ds(zoff2, BLK)])

        plsc.subcore_barrier()

        @pl.loop(0, NBLK)
        def _(blk):
            e0 = wid * EPW + blk * BLK
            pltpu.sync_copy(row_hbm.at[pl.ds(e0, BLK)], ridx)
            pltpu.sync_copy(col_hbm.at[pl.ds(e0, BLK)], cidx)
            g1 = pltpu.async_copy(qp_hbm.at[ridx], qv, sem1)
            g2 = pltpu.async_copy(kv_hbm.at[cidx], kvv, sem2)
            pltpu.sync_copy(wkv_hbm.at[pl.ds(e0, BLK)], wv)
            for j in range(BLK // 16):
                r = ridx[pl.ds(16 * j, 16)]
                ridx32[pl.ds(16 * j, 16)] = r >> 5
            g1.wait()
            g2.wait()

            @pl.loop(0, BLK)
            def _(e):
                wk0 = wv[e, pl.ds(0, 16)]
                wk1 = wv[e, pl.ds(16, 16)]
                evs = []
                for h in range(H):
                    q0 = qv[e, pl.ds(32 * h, 16)]
                    q1 = qv[e, pl.ds(32 * h + 16, 16)]
                    k0 = kvv[e, pl.ds(32 * h, 16)]
                    k1 = kvv[e, pl.ds(32 * h + 16, 16)]
                    s = q0 * k0 * wk0 + q1 * k1 * wk1
                    qk = jnp.sum(s) * INV_SQRT_KH
                    evs.append(jnp.exp(jnp.full((16,), qk, jnp.float32)))
                wv0 = wv[e, pl.ds(32, 16)]
                wv1 = wv[e, pl.ds(48, 16)]
                for h in range(H):
                    v0 = kvv[e, pl.ds(128 + 32 * h, 16)]
                    v1 = kvv[e, pl.ds(128 + 32 * h + 16, 16)]
                    cv[e, pl.ds(32 * h, 16)] = v0 * wv0 * evs[h]
                    cv[e, pl.ds(32 * h + 16, 16)] = v1 * wv1 * evs[h]
                rvec = plsc.load_gather(ridx,
                                        [jnp.full((16,), e, jnp.int32)])
                rs = jnp.max(rvec)
                s4 = (rs & 3) * 4
                exchunk = jnp.where(io == s4, evs[0], 0.0)
                exchunk = jnp.where(io == s4 + 1, evs[1], exchunk)
                exchunk = jnp.where(io == s4 + 2, evs[2], exchunk)
                exchunk = jnp.where(io == s4 + 3, evs[3], exchunk)
                cix = (rs & 31) >> 2
                for j in range(8):
                    exv[e, pl.ds(16 * j, 16)] = jnp.where(cix == j,
                                                          exchunk, z16)

            pltpu.sync_copy(cv, acc.at[ridx], add=True)
            pltpu.sync_copy(exv, dacc.at[ridx32], add=True)

        plsc.subcore_barrier()

        doff = pl.multiple_of(sid * RPT, 8)
        pltpu.sync_copy(acc.at[pl.ds(doff, RPT)],
                        out_hbm.at[cid, pl.ds(doff, RPT)])

        @pl.when(sid == 0)
        def _():
            pltpu.sync_copy(dacc, den_hbm.at[cid])

    return sck(qp, kv, wkv, row, col)


def _finalize(node_attr, a0, a1, den0, den1, exp4, bdvl, bvl, cenw, cenb,
              outw, outb, lng, lnb):
    def body(x_ref, a0_ref, a1_ref, den0_ref, den1_ref, exp4_ref, bdvl_ref,
             bvl_ref, cenw_ref, cenb_ref, outw_ref, outb_ref, lng_ref,
             lnb_ref, o_ref):
        contrib = a0_ref[...] + a1_ref[...]
        den = den0_ref[...] + den1_ref[...]
        safe = jnp.where(den > 0, den, 1.0)
        rec = jnp.where(den > 0, 1.0 / safe, 0.0)
        ind = (den > 0).astype(jnp.float32)
        rec128 = jnp.dot(rec, exp4_ref[...], preferred_element_type=jnp.float32)
        ind128 = jnp.dot(ind, exp4_ref[...], preferred_element_type=jnp.float32)
        s = contrib * rec128
        aggr = (
            jnp.dot(s, bdvl_ref[...], preferred_element_type=jnp.float32)
            + ind128 * bvl_ref[...]
        )
        out = (
            jnp.dot(x_ref[...], cenw_ref[...], preferred_element_type=jnp.float32)
            + cenb_ref[...]
            + aggr
        )
        out = (
            jnp.dot(_ssp(out), outw_ref[...], preferred_element_type=jnp.float32)
            + outb_ref[...]
        )
        mu = jnp.mean(out, axis=1, keepdims=True)
        var = jnp.mean((out - mu) ** 2, axis=1, keepdims=True)
        o_ref[...] = (out - mu) * lax.rsqrt(var + 1e-5) * lng_ref[...] + lnb_ref[...]

    return pl.pallas_call(
        body,
        out_shape=jax.ShapeDtypeStruct((N, C), jnp.float32),
    )(node_attr, a0, a1, den0, den1, exp4, bdvl, bvl, cenw, cenb, outw, outb,
      lng, lnb)


def kernel(node_attr, edge_attr, edge_index, Wk, Wq, Wv, wkn_w1, wkn_b1,
           wkn_w2, wkn_b2, wkl_w, wkl_b, wvn_w1, wvn_b1, wvn_w2, wvn_b2,
           wvl_w, wvl_b, cen_w, cen_b, out_w, out_b, ln_g, ln_b):
    pad_e = EPAD - E
    row = jnp.concatenate([edge_index[0], jnp.full((pad_e,), N, jnp.int32)])
    col = jnp.concatenate([edge_index[1], jnp.full((pad_e,), N, jnp.int32)])
    ea_pad = jnp.concatenate(
        [edge_attr, jnp.zeros((pad_e, DE), jnp.float32)])
    na_pad = jnp.concatenate(
        [node_attr, jnp.zeros((NPAD - N, C), jnp.float32)])

    zero = jnp.zeros((CH, CH), jnp.float32)

    def blockdiag4(blocks):
        rows = []
        for i in range(H):
            rows.append(jnp.concatenate(
                [blocks[i] if j == i else zero for j in range(H)], axis=1))
        return jnp.concatenate(rows, axis=0)

    aq = [Wq[h].T @ wkl_w for h in range(H)]
    bd_q = blockdiag4(aq)
    bd_k = blockdiag4([Wk[h].T for h in range(H)])
    bd_v = blockdiag4([Wv[h].T for h in range(H)])
    wkv_cat = jnp.concatenate([bd_k, bd_v], axis=1)

    w1 = jnp.concatenate([wkn_w1.T, wvn_w1.T], axis=1)
    b1 = jnp.concatenate([wkn_b1, wvn_b1])[None, :]
    z32 = jnp.zeros((KH, CH), jnp.float32)
    bd2 = jnp.concatenate([
        jnp.concatenate([wkn_w2.T, z32], axis=1),
        jnp.concatenate([z32, wvn_w2.T], axis=1),
    ], axis=0)
    b2 = jnp.concatenate([wkn_b2, wvn_b2])[None, :]

    exp4 = jnp.repeat(jnp.eye(H, dtype=jnp.float32), CH, axis=1)
    bdvl = blockdiag4([wvl_w.T for _ in range(H)])
    bvl = jnp.tile(wvl_b, H)[None, :]

    qp, kvt = _prep_nodes(na_pad, bd_q, wkv_cat)
    wkv = _prep_edges(ea_pad, w1, b1, bd2, b2)
    sc_out, sc_den = _sc_aggregate(qp, kvt, wkv, row, col)

    den0 = sc_den[0].reshape(DENR * 128)[:N * H].reshape(N, H)
    den1 = sc_den[1].reshape(DENR * 128)[:N * H].reshape(N, H)
    return _finalize(node_attr, sc_out[0, :N], sc_out[1, :N], den0, den1,
                     exp4, bdvl, bvl, cen_w.T, cen_b[None, :], out_w.T,
                     out_b[None, :], ln_g[None, :], ln_b[None, :])

# --- scband reference (transcript-rebuilt; emitter-appended) ---
"""Pipeline reference for scband-multi-head-attention-72885595013338 (READ-ONLY COPY).

The authoritative reference and input builder live on the scoring server;
editing this copy changes nothing except your own understanding.
"""

import jax, jax.numpy as jnp
import numpy as np

N = 10000
E = 320000
C = 128
KC = 128
H = 4
DE = 16
CH = C // H
KH = KC // H
SHIFT = float(np.log(2.0))


def ssp(x):
    return jax.nn.softplus(x) - SHIFT


def setup_inputs(seed: int = 0):
    key = jax.random.key(seed)
    ks = jax.random.split(key, 30)

    def w(i, shape, fan_in):
        return jax.random.normal(ks[i], shape, dtype=jnp.float32) / np.sqrt(float(fan_in))

    inp = {}
    inp["node_attr"] = jax.random.normal(ks[0], (N, C), dtype=jnp.float32)
    inp["edge_attr"] = jax.random.normal(ks[1], (E, DE), dtype=jnp.float32)
    inp["edge_index"] = jax.random.randint(ks[2], (2, E), 0, N, dtype=jnp.int32)
    inp["Wk"] = w(3, (H, KH, CH), CH)
    inp["Wq"] = w(4, (H, KH, CH), CH)
    inp["Wv"] = w(5, (H, CH, CH), CH)
    inp["wkn_w1"] = w(6, (KH, DE), DE)
    inp["wkn_b1"] = jnp.zeros((KH,), dtype=jnp.float32)
    inp["wkn_w2"] = w(7, (KH, KH), KH)
    inp["wkn_b2"] = jnp.zeros((KH,), dtype=jnp.float32)
    inp["wkl_w"] = w(8, (KH, KH), KH)
    inp["wkl_b"] = jnp.zeros((KH,), dtype=jnp.float32)
    inp["wvn_w1"] = w(9, (CH, DE), DE)
    inp["wvn_b1"] = jnp.zeros((CH,), dtype=jnp.float32)
    inp["wvn_w2"] = w(10, (CH, CH), CH)
    inp["wvn_b2"] = jnp.zeros((CH,), dtype=jnp.float32)
    inp["wvl_w"] = w(11, (CH, CH), CH)
    inp["wvl_b"] = jnp.zeros((CH,), dtype=jnp.float32)
    inp["cen_w"] = w(12, (C, C), C)
    inp["cen_b"] = jnp.zeros((C,), dtype=jnp.float32)
    inp["out_w"] = w(13, (C, C), C)
    inp["out_b"] = jnp.zeros((C,), dtype=jnp.float32)
    inp["ln_g"] = jnp.ones((C,), dtype=jnp.float32)
    inp["ln_b"] = jnp.zeros((C,), dtype=jnp.float32)
    return inp


def reference(node_attr, edge_attr, edge_index, Wk, Wq, Wv, wkn_w1, wkn_b1, wkn_w2, wkn_b2, wkl_w, wkl_b, wvn_w1, wvn_b1, wvn_w2, wvn_b2, wvl_w, wvl_b, cen_w, cen_b, out_w, out_b, ln_g, ln_b):
    row = edge_index[0]
    col = edge_index[1]
    xh = node_attr.reshape(N, H, CH)
    # grouped 1x1 Conv1d == per-head block-diagonal linear
    h_keys = jnp.einsum('nhc,hkc->nhk', xh, Wk)
    h_queries = jnp.einsum('nhc,hkc->nhk', xh, Wq)
    h_values = jnp.einsum('nhc,hkc->nhk', xh, Wv)
    W_k = ssp(edge_attr @ wkn_w1.T + wkn_b1) @ wkn_w2.T + wkn_b2
    keys_j = (W_k[:, None, :] * h_keys[col]) @ wkl_w.T + wkl_b
    queries_i = h_queries[row]
    qk = (queries_i * keys_j).sum(-1) / np.sqrt(float(KH))
    # scatter_softmax over destination node (row)
    m = jax.ops.segment_max(qk, row, num_segments=N)
    ex = jnp.exp(qk - m[row])
    den = jax.ops.segment_sum(ex, row, num_segments=N)
    alpha = ex / den[row]
    W_v = ssp(edge_attr @ wvn_w1.T + wvn_b1) @ wvn_w2.T + wvn_b2
    msg = (W_v[:, None, :] * h_values[col]) @ wvl_w.T + wvl_b
    msg = alpha[:, :, None] * msg
    aggr = jax.ops.segment_sum(msg, row, num_segments=N).reshape(N, C)
    out = node_attr @ cen_w.T + cen_b + aggr
    out = ssp(out) @ out_w.T + out_b
    mu = jnp.mean(out, axis=-1, keepdims=True)
    var = jnp.mean((out - mu) ** 2, axis=-1, keepdims=True)
    return (out - mu) / jnp.sqrt(var + 1e-5) * ln_g + ln_b

if __name__ == "__main__":
    import jax
    _d = setup_inputs()
    print(jax.jit(kernel)(*tuple(_d.values())))

</pallas_src>

<mosaic_0001>
#map = affine_map<(d0, d1) -> (0, 0)>
#map1 = affine_map<(d0, d1) -> (0)>
#map2 = affine_map<(d0, d1) -> (0, 0, 0)>
module attributes {stable_mosaic.version = 14 : i64} {
  func.func @sck(%arg0: i32, %arg1: i32, %arg2: memref<10112x128xf32, #tpu.memory_space<hbm>>, %arg3: memref<10112x256xf32, #tpu.memory_space<hbm>>, %arg4: memref<327680x64xf32, #tpu.memory_space<hbm>>, %arg5: memref<327680xi32, #tpu.memory_space<hbm>>, %arg6: memref<327680xi32, #tpu.memory_space<hbm>>, %arg7: memref<2x10112x128xf32, #tpu.memory_space<hbm>>, %arg8: memref<2x320x128xf32, #tpu.memory_space<hbm>>, %arg9: memref<32xi32, #tpu.memory_space<vmem>>, %arg10: memref<32xi32, #tpu.memory_space<vmem>>, %arg11: memref<32xi32, #tpu.memory_space<vmem>>, %arg12: memref<32x128xf32, #tpu.memory_space<vmem>>, %arg13: memref<32x256xf32, #tpu.memory_space<vmem>>, %arg14: memref<32x64xf32, #tpu.memory_space<vmem>>, %arg15: memref<32x128xf32, #tpu.memory_space<vmem>>, %arg16: memref<32x128xf32, #tpu.memory_space<vmem>>, %arg17: memref<10112x128xf32, #tpu.memory_space<vmem_shared>>, %arg18: memref<320x128xf32, #tpu.memory_space<vmem_shared>>, %arg19: memref<!tpu.dma_semaphore, #tpu.memory_space<semaphore_mem>>, %arg20: memref<!tpu.dma_semaphore, #tpu.memory_space<semaphore_mem>>) attributes {dimension_semantics = [#tpu.dimension_semantics<core_parallel>, #tpu.dimension_semantics<subcore_parallel>], iteration_bounds = array<i64: 2, 16>, scalar_prefetch = 0 : i64, scratch_operands = 12 : i64, tpu.core_type = #tpu.core_type<sc_vector_subcore>, window_params = [{transform_indices = #map}, {transform_indices = #map}, {transform_indices = #map}, {transform_indices = #map1}, {transform_indices = #map1}, {transform_indices = #map2}, {transform_indices = #map2}]} {
    %mul3A = arith.constant 2 : i32
    %mul3A_0 = arith.muli %arg1, %mul3A : i32
    %add3A = arith.addi %mul3A_0, %arg0 : i32
    %iota3A = tpu.iota {dimensions = array<i32: 0>} : vector<16xi32>
    %broadcast_in_dim3A = arith.constant 0.000000e+00 : f32
    %broadcast_in_dim3A_1 = vector.broadcast %broadcast_in_dim3A : f32 to vector<16xf32>
    %scan3A = arith.constant 0 : i32
    %scan3A_2 = arith.constant 32 : i32
    %scan3A_3 = arith.addi %scan3A, %scan3A_2 : i32
    %scan3A_4 = arith.constant 1 : i32
    scf.for %scan3A_30 = %scan3A to %scan3A_3 step %scan3A_4  : i32 {
      %mul3A_31 = arith.constant 1 : i32
      %mul3A_32 = arith.muli %scan3A_30, %mul3A_31 : i32
      %add3A_33 = arith.constant 0 : i32
      %add3A_34 = arith.addi %add3A_33, %mul3A_32 : i32
      %swap3A = arith.index_cast %add3A_34 : i32 to index
      %swap3A_35 = arith.constant 0 : index
      %swap3A_36 = tpu.vector_load %arg15[%swap3A, %swap3A_35] {strides = array<i32>} : memref<32x128xf32, #tpu.memory_space<vmem>>, vector<16xf32>,
      tpu.vector_store %arg15[%swap3A, %swap3A_35], %broadcast_in_dim3A_1 {strides = array<i32>} : memref<32x128xf32, #tpu.memory_space<vmem>>, vector<16xf32>,
      %swap3A_37 = arith.index_cast %add3A_34 : i32 to index
      %swap3A_38 = arith.constant 16 : index
      %swap3A_39 = tpu.vector_load %arg15[%swap3A_37, %swap3A_38] {strides = array<i32>} : memref<32x128xf32, #tpu.memory_space<vmem>>, vector<16xf32>,
      tpu.vector_store %arg15[%swap3A_37, %swap3A_38], %broadcast_in_dim3A_1 {strides = array<i32>} : memref<32x128xf32, #tpu.memory_space<vmem>>, vector<16xf32>,
      %swap3A_40 = arith.index_cast %add3A_34 : i32 to index
      %swap3A_41 = arith.constant 32 : index
      %swap3A_42 = tpu.vector_load %arg15[%swap3A_40, %swap3A_41] {strides = array<i32>} : memref<32x128xf32, #tpu.memory_space<vmem>>, vector<16xf32>,
      tpu.vector_store %arg15[%swap3A_40, %swap3A_41], %broadcast_in_dim3A_1 {strides = array<i32>} : memref<32x128xf32, #tpu.memory_space<vmem>>, vector<16xf32>,
      %swap3A_43 = arith.index_cast %add3A_34 : i32 to index
      %swap3A_44 = arith.constant 48 : index
      %swap3A_45 = tpu.vector_load %arg15[%swap3A_43, %swap3A_44] {strides = array<i32>} : memref<32x128xf32, #tpu.memory_space<vmem>>, vector<16xf32>,
      tpu.vector_store %arg15[%swap3A_43, %swap3A_44], %broadcast_in_dim3A_1 {strides = array<i32>} : memref<32x128xf32, #tpu.memory_space<vmem>>, vector<16xf32>,
      %swap3A_46 = arith.index_cast %add3A_34 : i32 to index
      %swap3A_47 = arith.constant 64 : index
      %swap3A_48 = tpu.vector_load %arg15[%swap3A_46, %swap3A_47] {strides = array<i32>} : memref<32x128xf32, #tpu.memory_space<vmem>>, vector<16xf32>,
      tpu.vector_store %arg15[%swap3A_46, %swap3A_47], %broadcast_in_dim3A_1 {strides = array<i32>} : memref<32x128xf32, #tpu.memory_space<vmem>>, vector<16xf32>,
      %swap3A_49 = arith.index_cast %add3A_34 : i32 to index
      %swap3A_50 = arith.constant 80 : index
      %swap3A_51 = tpu.vector_load %arg15[%swap3A_49, %swap3A_50] {strides = array<i32>} : memref<32x128xf32, #tpu.memory_space<vmem>>, vector<16xf32>,
      tpu.vector_store %arg15[%swap3A_49, %swap3A_50], %broadcast_in_dim3A_1 {strides = array<i32>} : memref<32x128xf32, #tpu.memory_space<vmem>>, vector<16xf32>,
      %swap3A_52 = arith.index_cast %add3A_34 : i32 to index
      %swap3A_53 = arith.constant 96 : index
      %swap3A_54 = tpu.vector_load %arg15[%swap3A_52, %swap3A_53] {strides = array<i32>} : memref<32x128xf32, #tpu.memory_space<vmem>>, vector<16xf32>,
      tpu.vector_store %arg15[%swap3A_52, %swap3A_53], %broadcast_in_dim3A_1 {strides = array<i32>} : memref<32x128xf32, #tpu.memory_space<vmem>>, vector<16xf32>,
      %swap3A_55 = arith.index_cast %add3A_34 : i32 to index
      %swap3A_56 = arith.constant 112 : index
      %swap3A_57 = tpu.vector_load %arg15[%swap3A_55, %swap3A_56] {strides = array<i32>} : memref<32x128xf32, #tpu.memory_space<vmem>>, vector<16xf32>,
      tpu.vector_store %arg15[%swap3A_55, %swap3A_56], %broadcast_in_dim3A_1 {strides = array<i32>} : memref<32x128xf32, #tpu.memory_space<vmem>>, vector<16xf32>,
    }
    %scan3A_5 = arith.constant 32 : i32
    %scan3A_6 = arith.constant 0 : i32
    %scan3A_7 = arith.constant 19 : i32
    %scan3A_8 = arith.addi %scan3A_6, %scan3A_7 : i32
    %scan3A_9 = arith.constant 1 : i32
    scf.for %scan3A_30 = %scan3A_6 to %scan3A_8 step %scan3A_9  : i32 {
      %mul3A_31 = arith.constant 1 : i32
      %mul3A_32 = arith.muli %scan3A_30, %mul3A_31 : i32
      %add3A_33 = arith.constant 0 : i32
      %add3A_34 = arith.addi %add3A_33, %mul3A_32 : i32
      %mul3A_35 = arith.constant 632 : i32
      %mul3A_36 = arith.muli %arg1, %mul3A_35 : i32
      %mul3A_37 = arith.constant 32 : i32
      %mul3A_38 = arith.muli %add3A_34, %mul3A_37 : i32
      %add3A_39 = arith.addi %mul3A_36, %mul3A_38 : i32
      %multiple_of3A_40 = tpu.assume_multiple %add3A_39, 8 : i32
      "tpu.region"() ({
        %run_scoped3A = tpu.sem_alloc : memref<!tpu.dma_semaphore, #tpu.memory_space<semaphore_mem>>
        %dma_start3A = arith.constant 0 : i32
        %dma_start3A_41 = tpu.memref_slice %arg17[%multiple_of3A_40, %dma_start3A] : memref<10112x128xf32, #tpu.memory_space<vmem_shared>> -> memref<32x128xf32, #tpu.memory_space<vmem_shared>>
        %dma_start3A_42 = arith.constant 0 : i32
        %dma_start3A_43 = tpu.memref_slice %arg17[%multiple_of3A_40, %dma_start3A_42] : memref<10112x128xf32, #tpu.memory_space<vmem_shared>> -> memref<32x128xf32, #tpu.memory_space<vmem_shared>>
        tpu.enqueue_dma source(%arg15 : memref<32x128xf32, #tpu.memory_space<vmem>>) target(%dma_start3A_43 : memref<32x128xf32, #tpu.memory_space<vmem_shared>>) target_semaphore(%run_scoped3A : memref<!tpu.dma_semaphore, #tpu.memory_space<semaphore_mem>>)
        %dma_wait3A = arith.constant 0 : i32
        %dma_wait3A_44 = tpu.memref_slice %arg17[%multiple_of3A_40, %dma_wait3A] : memref<10112x128xf32, #tpu.memory_space<vmem_shared>> -> memref<32x128xf32, #tpu.memory_space<vmem_shared>>
        %dma_wait3A_45 = arith.constant 0 : i32
        %dma_wait3A_46 = tpu.memref_slice %arg17[%multiple_of3A_40, %dma_wait3A_45] : memref<10112x128xf32, #tpu.memory_space<vmem_shared>> -> memref<32x128xf32, #tpu.memory_space<vmem_shared>>
        tpu.wait_dma2 semaphore(%run_scoped3A : memref<!tpu.dma_semaphore, #tpu.memory_space<semaphore_mem>>) src(%arg15 : memref<32x128xf32, #tpu.memory_space<vmem>>) dst(%dma_wait3A_46 : memref<32x128xf32, #tpu.memory_space<vmem_shared>>)
        tpu.yield
      }) : () -> ()
    }
    %scan3A_10 = arith.constant 19 : i32
    %mul3A_11 = arith.constant 632 : i32
    %mul3A_12 = arith.muli %arg1, %mul3A_11 : i32
    %add3A_13 = arith.constant 608 : i32
    %add3A_14 = arith.addi %mul3A_12, %add3A_13 : i32
    %multiple_of3A = tpu.assume_multiple %add3A_14, 8 : i32
    "tpu.region"() ({
      %run_scoped3A = tpu.sem_alloc : memref<!tpu.dma_semaphore, #tpu.memory_space<semaphore_mem>>
      %dma_start3A = arith.constant 0 : i32
      %dma_start3A_30 = arith.constant 0 : i32
      %dma_start3A_31 = tpu.memref_slice %arg15[%dma_start3A, %dma_start3A_30] : memref<32x128xf32, #tpu.memory_space<vmem>> -> memref<24x128xf32, #tpu.memory_space<vmem>>
      %dma_start3A_32 = arith.constant 0 : i32
      %dma_start3A_33 = tpu.memref_slice %arg17[%multiple_of3A, %dma_start3A_32] : memref<10112x128xf32, #tpu.memory_space<vmem_shared>> -> memref<24x128xf32, #tpu.memory_space<vmem_shared>>
      %dma_start3A_34 = arith.constant 0 : i32
      %dma_start3A_35 = tpu.memref_slice %arg17[%multiple_of3A, %dma_start3A_34] : memref<10112x128xf32, #tpu.memory_space<vmem_shared>> -> memref<24x128xf32, #tpu.memory_space<vmem_shared>>
      %dma_start3A_36 = arith.constant 0 : i32
      %dma_start3A_37 = arith.constant 0 : i32
      %dma_start3A_38 = tpu.memref_slice %arg15[%dma_start3A_36, %dma_start3A_37] : memref<32x128xf32, #tpu.memory_space<vmem>> -> memref<24x128xf32, #tpu.memory_space<vmem>>
      tpu.enqueue_dma source(%dma_start3A_38 : memref<24x128xf32, #tpu.memory_space<vmem>>) target(%dma_start3A_35 : memref<24x128xf32, #tpu.memory_space<vmem_shared>>) target_semaphore(%run_scoped3A : memref<!tpu.dma_semaphore, #tpu.memory_space<semaphore_mem>>)
      %dma_wait3A = arith.constant 0 : i32
      %dma_wait3A_39 = arith.constant 0 : i32
      %dma_wait3A_40 = tpu.memref_slice %arg15[%dma_wait3A, %dma_wait3A_39] : memref<32x128xf32, #tpu.memory_space<vmem>> -> memref<24x128xf32, #tpu.memory_space<vmem>>
      %dma_wait3A_41 = arith.constant 0 : i32
      %dma_wait3A_42 = tpu.memref_slice %arg17[%multiple_of3A, %dma_wait3A_41] : memref<10112x128xf32, #tpu.memory_space<vmem_shared>> -> memref<24x128xf32, #tpu.memory_space<vmem_shared>>
      %dma_wait3A_43 = arith.constant 0 : i32
      %dma_wait3A_44 = tpu.memref_slice %arg17[%multiple_of3A, %dma_wait3A_43] : memref<10112x128xf32, #tpu.memory_space<vmem_shared>> -> memref<24x128xf32, #tpu.memory_space<vmem_shared>>
      %dma_wait3A_45 = arith.constant 0 : i32
      %dma_wait3A_46 = arith.constant 0 : i32
      %dma_wait3A_47 = tpu.memref_slice %arg15[%dma_wait3A_45, %dma_wait3A_46] : memref<32x128xf32, #tpu.memory_space<vmem>> -> memref<24x128xf32, #tpu.memory_space<vmem>>
      tpu.wait_dma2 semaphore(%run_scoped3A : memref<!tpu.dma_semaphore, #tpu.memory_space<semaphore_mem>>) src(%dma_wait3A_47 : memref<24x128xf32, #tpu.memory_space<vmem>>) dst(%dma_wait3A_44 : memref<24x128xf32, #tpu.memory_space<vmem_shared>>)
      tpu.yield
    }) : () -> ()
    %lt3A = arith.constant 10 : i32
    %lt3A_15 = arith.cmpi slt, %arg1, %lt3A : i32
    %convert_element_type3A = arith.extui %lt3A_15 : i1 to i32
    %cond3A = arith.constant 0 : i32
    %cond3A_16 = arith.cmpi ne, %convert_element_type3A, %cond3A : i32
    scf.if %cond3A_16 {
      %mul3A_30 = arith.constant 32 : i32
      %mul3A_31 = arith.muli %arg1, %mul3A_30 : i32
      %multiple_of3A_32 = tpu.assume_multiple %mul3A_31, 8 : i32
      "tpu.region"() ({
        %run_scoped3A = tpu.sem_alloc : memref<!tpu.dma_semaphore, #tpu.memory_space<semaphore_mem>>
        %dma_start3A = arith.constant 0 : i32
        %dma_start3A_33 = tpu.memref_slice %arg18[%multiple_of3A_32, %dma_start3A] : memref<320x128xf32, #tpu.memory_space<vmem_shared>> -> memref<32x128xf32, #tpu.memory_space<vmem_shared>>
        %dma_start3A_34 = arith.constant 0 : i32
        %dma_start3A_35 = tpu.memref_slice %arg18[%multiple_of3A_32, %dma_start3A_34] : memref<320x128xf32, #tpu.memory_space<vmem_shared>> -> memref<32x128xf32, #tpu.memory_space<vmem_shared>>
        tpu.enqueue_dma source(%arg15 : memref<32x128xf32, #tpu.memory_space<vmem>>) target(%dma_start3A_35 : memref<32x128xf32, #tpu.memory_space<vmem_shared>>) target_semaphore(%run_scoped3A : memref<!tpu.dma_semaphore, #tpu.memory_space<semaphore_mem>>)
        %dma_wait3A = arith.constant 0 : i32
        %dma_wait3A_36 = tpu.memref_slice %arg18[%multiple_of3A_32, %dma_wait3A] : memref<320x128xf32, #tpu.memory_space<vmem_shared>> -> memref<32x128xf32, #tpu.memory_space<vmem_shared>>
        %dma_wait3A_37 = arith.constant 0 : i32
        %dma_wait3A_38 = tpu.memref_slice %arg18[%multiple_of3A_32, %dma_wait3A_37] : memref<320x128xf32, #tpu.memory_space<vmem_shared>> -> memref<32x128xf32, #tpu.memory_space<vmem_shared>>
        tpu.wait_dma2 semaphore(%run_scoped3A : memref<!tpu.dma_semaphore, #tpu.memory_space<semaphore_mem>>) src(%arg15 : memref<32x128xf32, #tpu.memory_space<vmem>>) dst(%dma_wait3A_38 : memref<32x128xf32, #tpu.memory_space<vmem_shared>>)
        tpu.yield
      }) : () -> ()
    } else {
    }
    %barrier3A = arith.constant 0 : index
    tpu.barrier barrier_id(%barrier3A)
    %scan3A_17 = arith.constant 0 : i32
    %scan3A_18 = arith.constant 320 : i32
    %scan3A_19 = arith.addi %scan3A_17, %scan3A_18 : i32
    %scan3A_20 = arith.constant 1 : i32
    scf.for %scan3A_30 = %scan3A_17 to %scan3A_19 step %scan3A_20  : i32 {
      %mul3A_31 = arith.constant 1 : i32
      %mul3A_32 = arith.muli %scan3A_30, %mul3A_31 : i32
      %add3A_33 = arith.constant 0 : i32
      %add3A_34 = arith.addi %add3A_33, %mul3A_32 : i32
      %mul3A_35 = arith.constant 10240 : i32
      %mul3A_36 = arith.muli %add3A, %mul3A_35 : i32
      %mul3A_37 = arith.constant 32 : i32
      %mul3A_38 = arith.muli %add3A_34, %mul3A_37 : i32
      %add3A_39 = arith.addi %mul3A_36, %mul3A_38 : i32
      "tpu.region"() ({
        %run_scoped3A = tpu.sem_alloc : memref<!tpu.dma_semaphore, #tpu.memory_space<semaphore_mem>>
        %dma_start3A_66 = tpu.memref_slice %arg5[%add3A_39] : memref<327680xi32, #tpu.memory_space<hbm>> -> memref<32xi32, #tpu.memory_space<hbm>>
        %dma_start3A_67 = tpu.memref_slice %arg5[%add3A_39] : memref<327680xi32, #tpu.memory_space<hbm>> -> memref<32xi32, #tpu.memory_space<hbm>>
        tpu.enqueue_dma source(%dma_start3A_67 : memref<32xi32, #tpu.memory_space<hbm>>) target(%arg9 : memref<32xi32, #tpu.memory_space<vmem>>) target_semaphore(%run_scoped3A : memref<!tpu.dma_semaphore, #tpu.memory_space<semaphore_mem>>)
        %dma_wait3A_68 = tpu.memref_slice %arg5[%add3A_39] : memref<327680xi32, #tpu.memory_space<hbm>> -> memref<32xi32, #tpu.memory_space<hbm>>
        %dma_wait3A_69 = tpu.memref_slice %arg5[%add3A_39] : memref<327680xi32, #tpu.memory_space<hbm>> -> memref<32xi32, #tpu.memory_space<hbm>>
        tpu.wait_dma2 semaphore(%run_scoped3A : memref<!tpu.dma_semaphore, #tpu.memory_space<semaphore_mem>>) src(%dma_wait3A_69 : memref<32xi32, #tpu.memory_space<hbm>>) dst(%arg9 : memref<32xi32, #tpu.memory_space<vmem>>)
        tpu.yield
      }) : () -> ()
      "tpu.region"() ({
        %run_scoped3A = tpu.sem_alloc : memref<!tpu.dma_semaphore, #tpu.memory_space<semaphore_mem>>
        %dma_start3A_66 = tpu.memref_slice %arg6[%add3A_39] : memref<327680xi32, #tpu.memory_space<hbm>> -> memref<32xi32, #tpu.memory_space<hbm>>
        %dma_start3A_67 = tpu.memref_slice %arg6[%add3A_39] : memref<327680xi32, #tpu.memory_space<hbm>> -> memref<32xi32, #tpu.memory_space<hbm>>
        tpu.enqueue_dma source(%dma_start3A_67 : memref<32xi32, #tpu.memory_space<hbm>>) target(%arg10 : memref<32xi32, #tpu.memory_space<vmem>>) target_semaphore(%run_scoped3A : memref<!tpu.dma_semaphore, #tpu.memory_space<semaphore_mem>>)
        %dma_wait3A_68 = tpu.memref_slice %arg6[%add3A_39] : memref<327680xi32, #tpu.memory_space<hbm>> -> memref<32xi32, #tpu.memory_space<hbm>>
        %dma_wait3A_69 = tpu.memref_slice %arg6[%add3A_39] : memref<327680xi32, #tpu.memory_space<hbm>> -> memref<32xi32, #tpu.memory_space<hbm>>
        tpu.wait_dma2 semaphore(%run_scoped3A : memref<!tpu.dma_semaphore, #tpu.memory_space<semaphore_mem>>) src(%dma_wait3A_69 : memref<32xi32, #tpu.memory_space<hbm>>) dst(%arg10 : memref<32xi32, #tpu.memory_space<vmem>>)
        tpu.yield
      }) : () -> ()
      %dma_start3A = arith.constant 0 : i32
      %dma_start3A_40 = arith.constant 0 : i32
      %dma_start3A_41 = tpu.memref_slice %arg2[%dma_start3A, %dma_start3A_40] : memref<10112x128xf32, #tpu.memory_space<hbm>> -> memref<10112x128xf32, #tpu.memory_space<hbm>>
      tpu.enqueue_indirect_dma source(%dma_start3A_41 : memref<10112x128xf32, #tpu.memory_space<hbm>>) target(%arg12 : memref<32x128xf32, #tpu.memory_space<vmem>>) offsets(%arg9 : memref<32xi32, #tpu.memory_space<vmem>>) semaphore(%arg19 : memref<!tpu.dma_semaphore, #tpu.memory_space<semaphore_mem>>)
      %dma_start3A_42 = arith.constant 0 : i32
      %dma_start3A_43 = arith.constant 0 : i32
      %dma_start3A_44 = tpu.memref_slice %arg3[%dma_start3A_42, %dma_start3A_43] : memref<10112x256xf32, #tpu.memory_space<hbm>> -> memref<10112x256xf32, #tpu.memory_space<hbm>>
      tpu.enqueue_indirect_dma source(%dma_start3A_44 : memref<10112x256xf32, #tpu.memory_space<hbm>>) target(%arg13 : memref<32x256xf32, #tpu.memory_space<vmem>>) offsets(%arg10 : memref<32xi32, #tpu.memory_space<vmem>>) semaphore(%arg20 : memref<!tpu.dma_semaphore, #tpu.memory_space<semaphore_mem>>)
      "tpu.region"() ({
        %run_scoped3A = tpu.sem_alloc : memref<!tpu.dma_semaphore, #tpu.memory_space<semaphore_mem>>
        %dma_start3A_66 = arith.constant 0 : i32
        %dma_start3A_67 = tpu.memref_slice %arg4[%add3A_39, %dma_start3A_66] : memref<327680x64xf32, #tpu.memory_space<hbm>> -> memref<32x64xf32, #tpu.memory_space<hbm>>
        %dma_start3A_68 = arith.constant 0 : i32
        %dma_start3A_69 = tpu.memref_slice %arg4[%add3A_39, %dma_start3A_68] : memref<327680x64xf32, #tpu.memory_space<hbm>> -> memref<32x64xf32, #tpu.memory_space<hbm>>
        tpu.enqueue_dma source(%dma_start3A_69 : memref<32x64xf32, #tpu.memory_space<hbm>>) target(%arg14 : memref<32x64xf32, #tpu.memory_space<vmem>>) target_semaphore(%run_scoped3A : memref<!tpu.dma_semaphore, #tpu.memory_space<semaphore_mem>>)
        %dma_wait3A_70 = arith.constant 0 : i32
        %dma_wait3A_71 = tpu.memref_slice %arg4[%add3A_39, %dma_wait3A_70] : memref<327680x64xf32, #tpu.memory_space<hbm>> -> memref<32x64xf32, #tpu.memory_space<hbm>>
        %dma_wait3A_72 = arith.constant 0 : i32
        %dma_wait3A_73 = tpu.memref_slice %arg4[%add3A_39, %dma_wait3A_72] : memref<327680x64xf32, #tpu.memory_space<hbm>> -> memref<32x64xf32, #tpu.memory_space<hbm>>
        tpu.wait_dma2 semaphore(%run_scoped3A : memref<!tpu.dma_semaphore, #tpu.memory_space<semaphore_mem>>) src(%dma_wait3A_73 : memref<32x64xf32, #tpu.memory_space<hbm>>) dst(%arg14 : memref<32x64xf32, #tpu.memory_space<vmem>>)
        tpu.yield
      }) : () -> ()
      %get3A = arith.constant 0 : index
      %get3A_45 = tpu.vector_load %arg9[%get3A] {strides = array<i32>} : memref<32xi32, #tpu.memory_space<vmem>>, vector<16xi32>,
      %shift_right_arithmetic3A = arith.constant 5 : i32
      %shift_right_arithmetic3A_46 = vector.broadcast %shift_right_arithmetic3A : i32 to vector<16xi32>
      %shift_right_arithmetic3A_47 = arith.shrsi %get3A_45, %shift_right_arithmetic3A_46 : vector<16xi32>
      %swap3A = arith.constant 0 : index
      %swap3A_48 = tpu.vector_load %arg11[%swap3A] {strides = array<i32>} : memref<32xi32, #tpu.memory_space<vmem>>, vector<16xi32>,
      tpu.vector_store %arg11[%swap3A], %shift_right_arithmetic3A_47 {strides = array<i32>} : memref<32xi32, #tpu.memory_space<vmem>>, vector<16xi32>,
      %get3A_49 = arith.constant 16 : index
      %get3A_50 = tpu.vector_load %arg9[%get3A_49] {strides = array<i32>} : memref<32xi32, #tpu.memory_space<vmem>>, vector<16xi32>,
      %shift_right_arithmetic3A_51 = arith.constant 5 : i32
      %shift_right_arithmetic3A_52 = vector.broadcast %shift_right_arithmetic3A_51 : i32 to vector<16xi32>
      %shift_right_arithmetic3A_53 = arith.shrsi %get3A_50, %shift_right_arithmetic3A_52 : vector<16xi32>
      %swap3A_54 = arith.constant 16 : index
      %swap3A_55 = tpu.vector_load %arg11[%swap3A_54] {strides = array<i32>} : memref<32xi32, #tpu.memory_space<vmem>>, vector<16xi32>,
      tpu.vector_store %arg11[%swap3A_54], %shift_right_arithmetic3A_53 {strides = array<i32>} : memref<32xi32, #tpu.memory_space<vmem>>, vector<16xi32>,
      %dma_wait3A = arith.constant 0 : i32
      %dma_wait3A_56 = arith.constant 0 : i32
      %dma_wait3A_57 = tpu.memref_slice %arg2[%dma_wait3A, %dma_wait3A_56] : memref<10112x128xf32, #tpu.memory_space<hbm>> -> memref<10112x128xf32, #tpu.memory_space<hbm>>
      tpu.wait_indirect_dma semaphore(%arg19 : memref<!tpu.dma_semaphore, #tpu.memory_space<semaphore_mem>>) src(%dma_wait3A_57 : memref<10112x128xf32, #tpu.memory_space<hbm>>) dst(%arg12 : memref<32x128xf32, #tpu.memory_space<vmem>>)
      %dma_wait3A_58 = arith.constant 0 : i32
      %dma_wait3A_59 = arith.constant 0 : i32
      %dma_wait3A_60 = tpu.memref_slice %arg3[%dma_wait3A_58, %dma_wait3A_59] : memref<10112x256xf32, #tpu.memory_space<hbm>> -> memref<10112x256xf32, #tpu.memory_space<hbm>>
      tpu.wait_indirect_dma semaphore(%arg20 : memref<!tpu.dma_semaphore, #tpu.memory_space<semaphore_mem>>) src(%dma_wait3A_60 : memref<10112x256xf32, #tpu.memory_space<hbm>>) dst(%arg13 : memref<32x256xf32, #tpu.memory_space<vmem>>)
      %scan3A_61 = arith.constant 0 : i32
      %scan3A_62 = arith.constant 32 : i32
      %scan3A_63 = arith.addi %scan3A_61, %scan3A_62 : i32
      %scan3A_64 = arith.constant 1 : i32
      scf.for %scan3A_66 = %scan3A_61 to %scan3A_63 step %scan3A_64  : i32 {
        %mul3A_67 = arith.constant 1 : i32
        %mul3A_68 = arith.muli %scan3A_66, %mul3A_67 : i32
        %add3A_69 = arith.constant 0 : i32
        %add3A_70 = arith.addi %add3A_69, %mul3A_68 : i32
        %get3A_71 = arith.index_cast %add3A_70 : i32 to index
        %get3A_72 = arith.constant 0 : index
        %get3A_73 = tpu.vector_load %arg14[%get3A_71, %get3A_72] {strides = array<i32>} : memref<32x64xf32, #tpu.memory_space<vmem>>, vector<16xf32>,
        %get3A_74 = arith.index_cast %add3A_70 : i32 to index
        %get3A_75 = arith.constant 16 : index
        %get3A_76 = tpu.vector_load %arg14[%get3A_74, %get3A_75] {strides = array<i32>} : memref<32x64xf32, #tpu.memory_space<vmem>>, vector<16xf32>,
        %get3A_77 = arith.index_cast %add3A_70 : i32 to index
        %get3A_78 = arith.constant 0 : index
        %get3A_79 = tpu.vector_load %arg12[%get3A_77, %get3A_78] {strides = array<i32>} : memref<32x128xf32, #tpu.memory_space<vmem>>, vector<16xf32>,
        %get3A_80 = arith.index_cast %add3A_70 : i32 to index
        %get3A_81 = arith.constant 16 : index
        %get3A_82 = tpu.vector_load %arg12[%get3A_80, %get3A_81] {strides = array<i32>} : memref<32x128xf32, #tpu.memory_space<vmem>>, vector<16xf32>,
        %get3A_83 = arith.index_cast %add3A_70 : i32 to index
        %get3A_84 = arith.constant 0 : index
        %get3A_85 = tpu.vector_load %arg13[%get3A_83, %get3A_84] {strides = array<i32>} : memref<32x256xf32, #tpu.memory_space<vmem>>, vector<16xf32>,
        %get3A_86 = arith.index_cast %add3A_70 : i32 to index
        %get3A_87 = arith.constant 16 : index
        %get3A_88 = tpu.vector_load %arg13[%get3A_86, %get3A_87] {strides = array<i32>} : memref<32x256xf32, #tpu.memory_space<vmem>>, vector<16xf32>,
        %mul3A_89 = arith.mulf %get3A_79, %get3A_85 : vector<16xf32>
        %mul3A_90 = arith.mulf %mul3A_89, %get3A_73 : vector<16xf32>
        %mul3A_91 = arith.mulf %get3A_82, %get3A_88 : vector<16xf32>
        %mul3A_92 = arith.mulf %mul3A_91, %get3A_76 : vector<16xf32>
        %add3A_93 = arith.addf %mul3A_90, %mul3A_92 : vector<16xf32>
        %reduce_sum3A = arith.constant true
        %reduce_sum3A_94 = vector.broadcast %reduce_sum3A : i1 to vector<16xi1>
        %reduce_sum3A_95 = tpu.scan <sum>, %add3A_93 masked %reduce_sum3A_94 : vector<16xf32>, vector<16xi1> -> vector<16xf32>
        %reduce_sum3A_96 = vector.extract %reduce_sum3A_95[15] : f32 from vector<16xf32>
        %mul3A_97 = arith.constant 0.176776692 : f32
        %mul3A_98 = arith.mulf %reduce_sum3A_96, %mul3A_97 : f32
        %broadcast_in_dim3A_99 = vector.broadcast %mul3A_98 : f32 to vector<16xf32>
        %exp3A = math.exp %broadcast_in_dim3A_99 : vector<16xf32>
        %get3A_100 = arith.index_cast %add3A_70 : i32 to index
        %get3A_101 = arith.constant 32 : index
        %get3A_102 = tpu.vector_load %arg12[%get3A_100, %get3A_101] {strides = array<i32>} : memref<32x128xf32, #tpu.memory_space<vmem>>, vector<16xf32>,
        %get3A_103 = arith.index_cast %add3A_70 : i32 to index
        %get3A_104 = arith.constant 48 : index
        %get3A_105 = tpu.vector_load %arg12[%get3A_103, %get3A_104] {strides = array<i32>} : memref<32x128xf32, #tpu.memory_space<vmem>>, vector<16xf32>,
        %get3A_106 = arith.index_cast %add3A_70 : i32 to index
        %get3A_107 = arith.constant 32 : index
        %get3A_108 = tpu.vector_load %arg13[%get3A_106, %get3A_107] {strides = array<i32>} : memref<32x256xf32, #tpu.memory_space<vmem>>, vector<16xf32>,
        %get3A_109 = arith.index_cast %add3A_70 : i32 to index
        %get3A_110 = arith.constant 48 : index
        %get3A_111 = tpu.vector_load %arg13[%get3A_109, %get3A_110] {strides = array<i32>} : memref<32x256xf32, #tpu.memory_space<vmem>>, vector<16xf32>,
        %mul3A_112 = arith.mulf %get3A_102, %get3A_108 : vector<16xf32>
        %mul3A_113 = arith.mulf %mul3A_112, %get3A_73 : vector<16xf32>
        %mul3A_114 = arith.mulf %get3A_105, %get3A_111 : vector<16xf32>
        %mul3A_115 = arith.mulf %mul3A_114, %get3A_76 : vector<16xf32>
        %add3A_116 = arith.addf %mul3A_113, %mul3A_115 : vector<16xf32>
        %reduce_sum3A_117 = arith.constant true
        %reduce_sum3A_118 = vector.broadcast %reduce_sum3A_117 : i1 to vector<16xi1>
        %reduce_sum3A_119 = tpu.scan <sum>, %add3A_116 masked %reduce_sum3A_118 : vector<16xf32>, vector<16xi1> -> vector<16xf32>
        %reduce_sum3A_120 = vector.extract %reduce_sum3A_119[15] : f32 from vector<16xf32>
        %mul3A_121 = arith.constant 0.176776692 : f32
        %mul3A_122 = arith.mulf %reduce_sum3A_120, %mul3A_121 : f32
        %broadcast_in_dim3A_123 = vector.broadcast %mul3A_122 : f32 to vector<16xf32>
        %exp3A_124 = math.exp %broadcast_in_dim3A_123 : vector<16xf32>
        %get3A_125 = arith.index_cast %add3A_70 : i32 to index
        %get3A_126 = arith.constant 64 : index
        %get3A_127 = tpu.vector_load %arg12[%get3A_125, %get3A_126] {strides = array<i32>} : memref<32x128xf32, #tpu.memory_space<vmem>>, vector<16xf32>,
        %get3A_128 = arith.index_cast %add3A_70 : i32 to index
        %get3A_129 = arith.constant 80 : index
        %get3A_130 = tpu.vector_load %arg12[%get3A_128, %get3A_129] {strides = array<i32>} : memref<32x128xf32, #tpu.memory_space<vmem>>, vector<16xf32>,
        %get3A_131 = arith.index_cast %add3A_70 : i32 to index
        %get3A_132 = arith.constant 64 : index
        %get3A_133 = tpu.vector_load %arg13[%get3A_131, %get3A_132] {strides = array<i32>} : memref<32x256xf32, #tpu.memory_space<vmem>>, vector<16xf32>,
        %get3A_134 = arith.index_cast %add3A_70 : i32 to index
        %get3A_135 = arith.constant 80 : index
        %get3A_136 = tpu.vector_load %arg13[%get3A_134, %get3A_135] {strides = array<i32>} : memref<32x256xf32, #tpu.memory_space<vmem>>, vector<16xf32>,
        %mul3A_137 = arith.mulf %get3A_127, %get3A_133 : vector<16xf32>
        %mul3A_138 = arith.mulf %mul3A_137, %get3A_73 : vector<16xf32>
        %mul3A_139 = arith.mulf %get3A_130, %get3A_136 : vector<16xf32>
        %mul3A_140 = arith.mulf %mul3A_139, %get3A_76 : vector<16xf32>
        %add3A_141 = arith.addf %mul3A_138, %mul3A_140 : vector<16xf32>
        %reduce_sum3A_142 = arith.constant true
        %reduce_sum3A_143 = vector.broadcast %reduce_sum3A_142 : i1 to vector<16xi1>
        %reduce_sum3A_144 = tpu.scan <sum>, %add3A_141 masked %reduce_sum3A_143 : vector<16xf32>, vector<16xi1> -> vector<16xf32>
        %reduce_sum3A_145 = vector.extract %reduce_sum3A_144[15] : f32 from vector<16xf32>
        %mul3A_146 = arith.constant 0.176776692 : f32
        %mul3A_147 = arith.mulf %reduce_sum3A_145, %mul3A_146 : f32
        %broadcast_in_dim3A_148 = vector.broadcast %mul3A_147 : f32 to vector<16xf32>
        %exp3A_149 = math.exp %broadcast_in_dim3A_148 : vector<16xf32>
        %get3A_150 = arith.index_cast %add3A_70 : i32 to index
        %get3A_151 = arith.constant 96 : index
        %get3A_152 = tpu.vector_load %arg12[%get3A_150, %get3A_151] {strides = array<i32>} : memref<32x128xf32, #tpu.memory_space<vmem>>, vector<16xf32>,
        %get3A_153 = arith.index_cast %add3A_70 : i32 to index
        %get3A_154 = arith.constant 112 : index
        %get3A_155 = tpu.vector_load %arg12[%get3A_153, %get3A_154] {strides = array<i32>} : memref<32x128xf32, #tpu.memory_space<vmem>>, vector<16xf32>,
        %get3A_156 = arith.index_cast %add3A_70 : i32 to index
        %get3A_157 = arith.constant 96 : index
        %get3A_158 = tpu.vector_load %arg13[%get3A_156, %get3A_157] {strides = array<i32>} : memref<32x256xf32, #tpu.memory_space<vmem>>, vector<16xf32>,
        %get3A_159 = arith.index_cast %add3A_70 : i32 to index
        %get3A_160 = arith.constant 112 : index
        %get3A_161 = tpu.vector_load %arg13[%get3A_159, %get3A_160] {strides = array<i32>} : memref<32x256xf32, #tpu.memory_space<vmem>>, vector<16xf32>,
        %mul3A_162 = arith.mulf %get3A_152, %get3A_158 : vector<16xf32>
        %mul3A_163 = arith.mulf %mul3A_162, %get3A_73 : vector<16xf32>
        %mul3A_164 = arith.mulf %get3A_155, %get3A_161 : vector<16xf32>
        %mul3A_165 = arith.mulf %mul3A_164, %get3A_76 : vector<16xf32>
        %add3A_166 = arith.addf %mul3A_163, %mul3A_165 : vector<16xf32>
        %reduce_sum3A_167 = arith.constant true
        %reduce_sum3A_168 = vector.broadcast %reduce_sum3A_167 : i1 to vector<16xi1>
        %reduce_sum3A_169 = tpu.scan <sum>, %add3A_166 masked %reduce_sum3A_168 : vector<16xf32>, vector<16xi1> -> vector<16xf32>
        %reduce_sum3A_170 = vector.extract %reduce_sum3A_169[15] : f32 from vector<16xf32>
        %mul3A_171 = arith.constant 0.176776692 : f32
        %mul3A_172 = arith.mulf %reduce_sum3A_170, %mul3A_171 : f32
        %broadcast_in_dim3A_173 = vector.broadcast %mul3A_172 : f32 to vector<16xf32>
        %exp3A_174 = math.exp %broadcast_in_dim3A_173 : vector<16xf32>
        %get3A_175 = arith.index_cast %add3A_70 : i32 to index
        %get3A_176 = arith.constant 32 : index
        %get3A_177 = tpu.vector_load %arg14[%get3A_175, %get3A_176] {strides = array<i32>} : memref<32x64xf32, #tpu.memory_space<vmem>>, vector<16xf32>,
        %get3A_178 = arith.index_cast %add3A_70 : i32 to index
        %get3A_179 = arith.constant 48 : index
        %get3A_180 = tpu.vector_load %arg14[%get3A_178, %get3A_179] {strides = array<i32>} : memref<32x64xf32, #tpu.memory_space<vmem>>, vector<16xf32>,
        %get3A_181 = arith.index_cast %add3A_70 : i32 to index
        %get3A_182 = arith.constant 128 : index
        %get3A_183 = tpu.vector_load %arg13[%get3A_181, %get3A_182] {strides = array<i32>} : memref<32x256xf32, #tpu.memory_space<vmem>>, vector<16xf32>,
        %get3A_184 = arith.index_cast %add3A_70 : i32 to index
        %get3A_185 = arith.constant 144 : index
        %get3A_186 = tpu.vector_load %arg13[%get3A_184, %get3A_185] {strides = array<i32>} : memref<32x256xf32, #tpu.memory_space<vmem>>, vector<16xf32>,
        %mul3A_187 = arith.mulf %get3A_183, %get3A_177 : vector<16xf32>
        %mul3A_188 = arith.mulf %mul3A_187, %exp3A : vector<16xf32>
        %swap3A_189 = arith.index_cast %add3A_70 : i32 to index
        %swap3A_190 = arith.constant 0 : index
        %swap3A_191 = tpu.vector_load %arg15[%swap3A_189, %swap3A_190] {strides = array<i32>} : memref<32x128xf32, #tpu.memory_space<vmem>>, vector<16xf32>,
        tpu.vector_store %arg15[%swap3A_189, %swap3A_190], %mul3A_188 {strides = array<i32>} : memref<32x128xf32, #tpu.memory_space<vmem>>, vector<16xf32>,
        %mul3A_192 = arith.mulf %get3A_186, %get3A_180 : vector<16xf32>
        %mul3A_193 = arith.mulf %mul3A_192, %exp3A : vector<16xf32>
        %swap3A_194 = arith.index_cast %add3A_70 : i32 to index
        %swap3A_195 = arith.constant 16 : index
        %swap3A_196 = tpu.vector_load %arg15[%swap3A_194, %swap3A_195] {strides = array<i32>} : memref<32x128xf32, #tpu.memory_space<vmem>>, vector<16xf32>,
        tpu.vector_store %arg15[%swap3A_194, %swap3A_195], %mul3A_193 {strides = array<i32>} : memref<32x128xf32, #tpu.memory_space<vmem>>, vector<16xf32>,
        %get3A_197 = arith.index_cast %add3A_70 : i32 to index
        %get3A_198 = arith.constant 160 : index
        %get3A_199 = tpu.vector_load %arg13[%get3A_197, %get3A_198] {strides = array<i32>} : memref<32x256xf32, #tpu.memory_space<vmem>>, vector<16xf32>,
        %get3A_200 = arith.index_cast %add3A_70 : i32 to index
        %get3A_201 = arith.constant 176 : index
        %get3A_202 = tpu.vector_load %arg13[%get3A_200, %get3A_201] {strides = array<i32>} : memref<32x256xf32, #tpu.memory_space<vmem>>, vector<16xf32>,
        %mul3A_203 = arith.mulf %get3A_199, %get3A_177 : vector<16xf32>
        %mul3A_204 = arith.mulf %mul3A_203, %exp3A_124 : vector<16xf32>
        %swap3A_205 = arith.index_cast %add3A_70 : i32 to index
        %swap3A_206 = arith.constant 32 : index
        %swap3A_207 = tpu.vector_load %arg15[%swap3A_205, %swap3A_206] {strides = array<i32>} : memref<32x128xf32, #tpu.memory_space<vmem>>, vector<16xf32>,
        tpu.vector_store %arg15[%swap3A_205, %swap3A_206], %mul3A_204 {strides = array<i32>} : memref<32x128xf32, #tpu.memory_space<vmem>>, vector<16xf32>,
        %mul3A_208 = arith.mulf %get3A_202, %get3A_180 : vector<16xf32>
        %mul3A_209 = arith.mulf %mul3A_208, %exp3A_124 : vector<16xf32>
        %swap3A_210 = arith.index_cast %add3A_70 : i32 to index
        %swap3A_211 = arith.constant 48 : index
        %swap3A_212 = tpu.vector_load %arg15[%swap3A_210, %swap3A_211] {strides = array<i32>} : memref<32x128xf32, #tpu.memory_space<vmem>>, vector<16xf32>,
        tpu.vector_store %arg15[%swap3A_210, %swap3A_211], %mul3A_209 {strides = array<i32>} : memref<32x128xf32, #tpu.memory_space<vmem>>, vector<16xf32>,
        %get3A_213 = arith.index_cast %add3A_70 : i32 to index
        %get3A_214 = arith.constant 192 : index
        %get3A_215 = tpu.vector_load %arg13[%get3A_213, %get3A_214] {strides = array<i32>} : memref<32x256xf32, #tpu.memory_space<vmem>>, vector<16xf32>,
        %get3A_216 = arith.index_cast %add3A_70 : i32 to index
        %get3A_217 = arith.constant 208 : index
        %get3A_218 = tpu.vector_load %arg13[%get3A_216, %get3A_217] {strides = array<i32>} : memref<32x256xf32, #tpu.memory_space<vmem>>, vector<16xf32>,
        %mul3A_219 = arith.mulf %get3A_215, %get3A_177 : vector<16xf32>
        %mul3A_220 = arith.mulf %mul3A_219, %exp3A_149 : vector<16xf32>
        %swap3A_221 = arith.index_cast %add3A_70 : i32 to index
        %swap3A_222 = arith.constant 64 : index
        %swap3A_223 = tpu.vector_load %arg15[%swap3A_221, %swap3A_222] {strides = array<i32>} : memref<32x128xf32, #tpu.memory_space<vmem>>, vector<16xf32>,
        tpu.vector_store %arg15[%swap3A_221, %swap3A_222], %mul3A_220 {strides = array<i32>} : memref<32x128xf32, #tpu.memory_space<vmem>>, vector<16xf32>,
        %mul3A_224 = arith.mulf %get3A_218, %get3A_180 : vector<16xf32>
        %mul3A_225 = arith.mulf %mul3A_224, %exp3A_149 : vector<16xf32>
        %swap3A_226 = arith.index_cast %add3A_70 : i32 to index
        %swap3A_227 = arith.constant 80 : index
        %swap3A_228 = tpu.vector_load %arg15[%swap3A_226, %swap3A_227] {strides = array<i32>} : memref<32x128xf32, #tpu.memory_space<vmem>>, vector<16xf32>,
        tpu.vector_store %arg15[%swap3A_226, %swap3A_227], %mul3A_225 {strides = array<i32>} : memref<32x128xf32, #tpu.memory_space<vmem>>, vector<16xf32>,
        %get3A_229 = arith.index_cast %add3A_70 : i32 to index
        %get3A_230 = arith.constant 224 : index
        %get3A_231 = tpu.vector_load %arg13[%get3A_229, %get3A_230] {strides = array<i32>} : memref<32x256xf32, #tpu.memory_space<vmem>>, vector<16xf32>,
        %get3A_232 = arith.index_cast %add3A_70 : i32 to index
        %get3A_233 = arith.constant 240 : index
        %get3A_234 = tpu.vector_load %arg13[%get3A_232, %get3A_233] {strides = array<i32>} : memref<32x256xf32, #tpu.memory_space<vmem>>, vector<16xf32>,
        %mul3A_235 = arith.mulf %get3A_231, %get3A_177 : vector<16xf32>
        %mul3A_236 = arith.mulf %mul3A_235, %exp3A_174 : vector<16xf32>
        %swap3A_237 = arith.index_cast %add3A_70 : i32 to index
        %swap3A_238 = arith.constant 96 : index
        %swap3A_239 = tpu.vector_load %arg15[%swap3A_237, %swap3A_238] {strides = array<i32>} : memref<32x128xf32, #tpu.memory_space<vmem>>, vector<16xf32>,
        tpu.vector_store %arg15[%swap3A_237, %swap3A_238], %mul3A_236 {strides = array<i32>} : memref<32x128xf32, #tpu.memory_space<vmem>>, vector<16xf32>,
        %mul3A_240 = arith.mulf %get3A_234, %get3A_180 : vector<16xf32>
        %mul3A_241 = arith.mulf %mul3A_240, %exp3A_174 : vector<16xf32>
        %swap3A_242 = arith.index_cast %add3A_70 : i32 to index
        %swap3A_243 = arith.constant 112 : index
        %swap3A_244 = tpu.vector_load %arg15[%swap3A_242, %swap3A_243] {strides = array<i32>} : memref<32x128xf32, #tpu.memory_space<vmem>>, vector<16xf32>,
        tpu.vector_store %arg15[%swap3A_242, %swap3A_243], %mul3A_241 {strides = array<i32>} : memref<32x128xf32, #tpu.memory_space<vmem>>, vector<16xf32>,
        %broadcast_in_dim3A_245 = vector.broadcast %add3A_70 : i32 to vector<16xi32>
        %gather3A = tpu.vector_load_idx %arg9[%broadcast_in_dim3A_245] : memref<32xi32, #tpu.memory_space<vmem>>[vector<16xi32>], vector<16xi32>,
        %reduce_max3A = arith.constant true
        %reduce_max3A_246 = vector.broadcast %reduce_max3A : i1 to vector<16xi1>
        %reduce_max3A_247 = arith.constant -2147483648 : i32
        %reduce_max3A_248 = vector.broadcast %reduce_max3A_247 : i32 to vector<16xi32>
        %reduce_max3A_249 = arith.xori %gather3A, %reduce_max3A_248 : vector<16xi32>
        %reduce_max3A_250 = tpu.scan <max>, %reduce_max3A_249 masked %reduce_max3A_246 : vector<16xi32>, vector<16xi1> -> vector<16xi32>
        %reduce_max3A_251 = arith.xori %reduce_max3A_250, %reduce_max3A_248 : vector<16xi32>
        %reduce_max3A_252 = vector.extract %reduce_max3A_251[15] : i32 from vector<16xi32>
        %and3A = arith.constant 3 : i32
        %and3A_253 = arith.andi %reduce_max3A_252, %and3A : i32
        %mul3A_254 = arith.constant 4 : i32
        %mul3A_255 = arith.muli %and3A_253, %mul3A_254 : i32
        %eq3A_256 = vector.broadcast %mul3A_255 : i32 to vector<16xi32>
        %eq3A_257 = arith.cmpi eq, %iota3A, %eq3A_256 : vector<16xi32>
        %jit3A = arith.constant 0.000000e+00 : f32
        %broadcast_in_dim3A_258 = vector.broadcast %jit3A : f32 to vector<16xf32>
        %select_n3A = arith.select %eq3A_257, %exp3A, %broadcast_in_dim3A_258 : vector<16xi1>, vector<16xf32>
        %add3A_259 = arith.constant 1 : i32
        %add3A_260 = arith.addi %mul3A_255, %add3A_259 : i32
        %eq3A_261 = vector.broadcast %add3A_260 : i32 to vector<16xi32>
        %eq3A_262 = arith.cmpi eq, %iota3A, %eq3A_261 : vector<16xi32>
        %select_n3A_263 = arith.select %eq3A_262, %exp3A_124, %select_n3A : vector<16xi1>, vector<16xf32>
        %add3A_264 = arith.constant 2 : i32
        %add3A_265 = arith.addi %mul3A_255, %add3A_264 : i32
        %eq3A_266 = vector.broadcast %add3A_265 : i32 to vector<16xi32>
        %eq3A_267 = arith.cmpi eq, %iota3A, %eq3A_266 : vector<16xi32>
        %select_n3A_268 = arith.select %eq3A_267, %exp3A_149, %select_n3A_263 : vector<16xi1>, vector<16xf32>
        %add3A_269 = arith.constant 3 : i32
        %add3A_270 = arith.addi %mul3A_255, %add3A_269 : i32
        %eq3A_271 = vector.broadcast %add3A_270 : i32 to vector<16xi32>
        %eq3A_272 = arith.cmpi eq, %iota3A, %eq3A_271 : vector<16xi32>
        %select_n3A_273 = arith.select %eq3A_272, %exp3A_174, %select_n3A_268 : vector<16xi1>, vector<16xf32>
        %and3A_274 = arith.constant 31 : i32
        %and3A_275 = arith.andi %reduce_max3A_252, %and3A_274 : i32
        %shift_right_arithmetic3A_276 = arith.constant 2 : i32
        %shift_right_arithmetic3A_277 = arith.shrsi %and3A_275, %shift_right_arithmetic3A_276 : i32
        %eq3A_278 = arith.constant 0 : i32
        %eq3A_279 = arith.cmpi eq, %shift_right_arithmetic3A_277, %eq3A_278 : i32
        %select_n3A_280 = arith.select %eq3A_279, %select_n3A_273, %broadcast_in_dim3A_1 : vector<16xf32>
        %swap3A_281 = arith.index_cast %add3A_70 : i32 to index
        %swap3A_282 = arith.constant 0 : index
        %swap3A_283 = tpu.vector_load %arg16[%swap3A_281, %swap3A_282] {strides = array<i32>} : memref<32x128xf32, #tpu.memory_space<vmem>>, vector<16xf32>,
        tpu.vector_store %arg16[%swap3A_281, %swap3A_282], %select_n3A_280 {strides = array<i32>} : memref<32x128xf32, #tpu.memory_space<vmem>>, vector<16xf32>,
        %eq3A_284 = arith.constant 1 : i32
        %eq3A_285 = arith.cmpi eq, %shift_right_arithmetic3A_277, %eq3A_284 : i32
        %select_n3A_286 = arith.select %eq3A_285, %select_n3A_273, %broadcast_in_dim3A_1 : vector<16xf32>
        %swap3A_287 = arith.index_cast %add3A_70 : i32 to index
        %swap3A_288 = arith.constant 16 : index
        %swap3A_289 = tpu.vector_load %arg16[%swap3A_287, %swap3A_288] {strides = array<i32>} : memref<32x128xf32, #tpu.memory_space<vmem>>, vector<16xf32>,
        tpu.vector_store %arg16[%swap3A_287, %swap3A_288], %select_n3A_286 {strides = array<i32>} : memref<32x128xf32, #tpu.memory_space<vmem>>, vector<16xf32>,
        %eq3A_290 = arith.constant 2 : i32
        %eq3A_291 = arith.cmpi eq, %shift_right_arithmetic3A_277, %eq3A_290 : i32
        %select_n3A_292 = arith.select %eq3A_291, %select_n3A_273, %broadcast_in_dim3A_1 : vector<16xf32>
        %swap3A_293 = arith.index_cast %add3A_70 : i32 to index
        %swap3A_294 = arith.constant 32 : index
        %swap3A_295 = tpu.vector_load %arg16[%swap3A_293, %swap3A_294] {strides = array<i32>} : memref<32x128xf32, #tpu.memory_space<vmem>>, vector<16xf32>,
        tpu.vector_store %arg16[%swap3A_293, %swap3A_294], %select_n3A_292 {strides = array<i32>} : memref<32x128xf32, #tpu.memory_space<vmem>>, vector<16xf32>,
        %eq3A_296 = arith.constant 3 : i32
        %eq3A_297 = arith.cmpi eq, %shift_right_arithmetic3A_277, %eq3A_296 : i32
        %select_n3A_298 = arith.select %eq3A_297, %select_n3A_273, %broadcast_in_dim3A_1 : vector<16xf32>
        %swap3A_299 = arith.index_cast %add3A_70 : i32 to index
        %swap3A_300 = arith.constant 48 : index
        %swap3A_301 = tpu.vector_load %arg16[%swap3A_299, %swap3A_300] {strides = array<i32>} : memref<32x128xf32, #tpu.memory_space<vmem>>, vector<16xf32>,
        tpu.vector_store %arg16[%swap3A_299, %swap3A_300], %select_n3A_298 {strides = array<i32>} : memref<32x128xf32, #tpu.memory_space<vmem>>, vector<16xf32>,
        %eq3A_302 = arith.constant 4 : i32
        %eq3A_303 = arith.cmpi eq, %shift_right_arithmetic3A_277, %eq3A_302 : i32
        %select_n3A_304 = arith.select %eq3A_303, %select_n3A_273, %broadcast_in_dim3A_1 : vector<16xf32>
        %swap3A_305 = arith.index_cast %add3A_70 : i32 to index
        %swap3A_306 = arith.constant 64 : index
        %swap3A_307 = tpu.vector_load %arg16[%swap3A_305, %swap3A_306] {strides = array<i32>} : memref<32x128xf32, #tpu.memory_space<vmem>>, vector<16xf32>,
        tpu.vector_store %arg16[%swap3A_305, %swap3A_306], %select_n3A_304 {strides = array<i32>} : memref<32x128xf32, #tpu.memory_space<vmem>>, vector<16xf32>,
        %eq3A_308 = arith.constant 5 : i32
        %eq3A_309 = arith.cmpi eq, %shift_right_arithmetic3A_277, %eq3A_308 : i32
        %select_n3A_310 = arith.select %eq3A_309, %select_n3A_273, %broadcast_in_dim3A_1 : vector<16xf32>
        %swap3A_311 = arith.index_cast %add3A_70 : i32 to index
        %swap3A_312 = arith.constant 80 : index
        %swap3A_313 = tpu.vector_load %arg16[%swap3A_311, %swap3A_312] {strides = array<i32>} : memref<32x128xf32, #tpu.memory_space<vmem>>, vector<16xf32>,
        tpu.vector_store %arg16[%swap3A_311, %swap3A_312], %select_n3A_310 {strides = array<i32>} : memref<32x128xf32, #tpu.memory_space<vmem>>, vector<16xf32>,
        %eq3A_314 = arith.constant 6 : i32
        %eq3A_315 = arith.cmpi eq, %shift_right_arithmetic3A_277, %eq3A_314 : i32
        %select_n3A_316 = arith.select %eq3A_315, %select_n3A_273, %broadcast_in_dim3A_1 : vector<16xf32>
        %swap3A_317 = arith.index_cast %add3A_70 : i32 to index
        %swap3A_318 = arith.constant 96 : index
        %swap3A_319 = tpu.vector_load %arg16[%swap3A_317, %swap3A_318] {strides = array<i32>} : memref<32x128xf32, #tpu.memory_space<vmem>>, vector<16xf32>,
        tpu.vector_store %arg16[%swap3A_317, %swap3A_318], %select_n3A_316 {strides = array<i32>} : memref<32x128xf32, #tpu.memory_space<vmem>>, vector<16xf32>,
        %eq3A_320 = arith.constant 7 : i32
        %eq3A_321 = arith.cmpi eq, %shift_right_arithmetic3A_277, %eq3A_320 : i32
        %select_n3A_322 = arith.select %eq3A_321, %select_n3A_273, %broadcast_in_dim3A_1 : vector<16xf32>
        %swap3A_323 = arith.index_cast %add3A_70 : i32 to index
        %swap3A_324 = arith.constant 112 : index
        %swap3A_325 = tpu.vector_load %arg16[%swap3A_323, %swap3A_324] {strides = array<i32>} : memref<32x128xf32, #tpu.memory_space<vmem>>, vector<16xf32>,
        tpu.vector_store %arg16[%swap3A_323, %swap3A_324], %select_n3A_322 {strides = array<i32>} : memref<32x128xf32, #tpu.memory_space<vmem>>, vector<16xf32>,
      }
      %scan3A_65 = arith.constant 32 : i32
      "tpu.region"() ({
        %run_scoped3A = tpu.sem_alloc : memref<!tpu.dma_semaphore, #tpu.memory_space<semaphore_mem>>
        %dma_start3A_66 = arith.constant 0 : i32
        %dma_start3A_67 = arith.constant 0 : i32
        %dma_start3A_68 = tpu.memref_slice %arg17[%dma_start3A_66, %dma_start3A_67] : memref<10112x128xf32, #tpu.memory_space<vmem_shared>> -> memref<10112x128xf32, #tpu.memory_space<vmem_shared>>
        tpu.enqueue_indirect_dma source(%arg15 : memref<32x128xf32, #tpu.memory_space<vmem>>) target(%dma_start3A_68 : memref<10112x128xf32, #tpu.memory_space<vmem_shared>>) offsets(%arg9 : memref<32xi32, #tpu.memory_space<vmem>>) semaphore(%run_scoped3A : memref<!tpu.dma_semaphore, #tpu.memory_space<semaphore_mem>>) {add = true}
        %dma_wait3A_69 = arith.constant 0 : i32
        %dma_wait3A_70 = arith.constant 0 : i32
        %dma_wait3A_71 = tpu.memref_slice %arg17[%dma_wait3A_69, %dma_wait3A_70] : memref<10112x128xf32, #tpu.memory_space<vmem_shared>> -> memref<10112x128xf32, #tpu.memory_space<vmem_shared>>
        tpu.wait_indirect_dma semaphore(%run_scoped3A : memref<!tpu.dma_semaphore, #tpu.memory_space<semaphore_mem>>) src(%arg15 : memref<32x128xf32, #tpu.memory_space<vmem>>) dst(%dma_wait3A_71 : memref<10112x128xf32, #tpu.memory_space<vmem_shared>>)
        tpu.yield
      }) : () -> ()
      "tpu.region"() ({
        %run_scoped3A = tpu.sem_alloc : memref<!tpu.dma_semaphore, #tpu.memory_space<semaphore_mem>>
        %dma_start3A_66 = arith.constant 0 : i32
        %dma_start3A_67 = arith.constant 0 : i32
        %dma_start3A_68 = tpu.memref_slice %arg18[%dma_start3A_66, %dma_start3A_67] : memref<320x128xf32, #tpu.memory_space<vmem_shared>> -> memref<320x128xf32, #tpu.memory_space<vmem_shared>>
        tpu.enqueue_indirect_dma source(%arg16 : memref<32x128xf32, #tpu.memory_space<vmem>>) target(%dma_start3A_68 : memref<320x128xf32, #tpu.memory_space<vmem_shared>>) offsets(%arg11 : memref<32xi32, #tpu.memory_space<vmem>>) semaphore(%run_scoped3A : memref<!tpu.dma_semaphore, #tpu.memory_space<semaphore_mem>>) {add = true}
        %dma_wait3A_69 = arith.constant 0 : i32
        %dma_wait3A_70 = arith.constant 0 : i32
        %dma_wait3A_71 = tpu.memref_slice %arg18[%dma_wait3A_69, %dma_wait3A_70] : memref<320x128xf32, #tpu.memory_space<vmem_shared>> -> memref<320x128xf32, #tpu.memory_space<vmem_shared>>
        tpu.wait_indirect_dma semaphore(%run_scoped3A : memref<!tpu.dma_semaphore, #tpu.memory_space<semaphore_mem>>) src(%arg16 : memref<32x128xf32, #tpu.memory_space<vmem>>) dst(%dma_wait3A_71 : memref<320x128xf32, #tpu.memory_space<vmem_shared>>)
        tpu.yield
      }) : () -> ()
    }
    %scan3A_21 = arith.constant 320 : i32
    %barrier3A_22 = arith.constant 0 : index
    tpu.barrier barrier_id(%barrier3A_22)
    %mul3A_23 = arith.constant 632 : i32
    %mul3A_24 = arith.muli %arg1, %mul3A_23 : i32
    %multiple_of3A_25 = tpu.assume_multiple %mul3A_24, 8 : i32
    "tpu.region"() ({
      %run_scoped3A = tpu.sem_alloc : memref<!tpu.dma_semaphore, #tpu.memory_space<semaphore_mem>>
      %dma_start3A = arith.constant 0 : i32
      %dma_start3A_30 = tpu.memref_slice %arg7[%arg0, %multiple_of3A_25, %dma_start3A] : memref<2x10112x128xf32, #tpu.memory_space<hbm>> -> memref<1x632x128xf32, #tpu.memory_space<hbm>>
      %dma_start3A_31 = tpu.memref_squeeze %dma_start3A_30 : memref<1x632x128xf32, #tpu.memory_space<hbm>> -> memref<632x128xf32, #tpu.memory_space<hbm>>
      %dma_start3A_32 = arith.constant 0 : i32
      %dma_start3A_33 = tpu.memref_slice %arg17[%multiple_of3A_25, %dma_start3A_32] : memref<10112x128xf32, #tpu.memory_space<vmem_shared>> -> memref<632x128xf32, #tpu.memory_space<vmem_shared>>
      tpu.enqueue_dma source(%dma_start3A_33 : memref<632x128xf32, #tpu.memory_space<vmem_shared>>) target(%dma_start3A_31 : memref<632x128xf32, #tpu.memory_space<hbm>>) target_semaphore(%run_scoped3A : memref<!tpu.dma_semaphore, #tpu.memory_space<semaphore_mem>>)
      %dma_wait3A = arith.constant 0 : i32
      %dma_wait3A_34 = tpu.memref_slice %arg7[%arg0, %multiple_of3A_25, %dma_wait3A] : memref<2x10112x128xf32, #tpu.memory_space<hbm>> -> memref<1x632x128xf32, #tpu.memory_space<hbm>>
      %dma_wait3A_35 = tpu.memref_squeeze %dma_wait3A_34 : memref<1x632x128xf32, #tpu.memory_space<hbm>> -> memref<632x128xf32, #tpu.memory_space<hbm>>
      %dma_wait3A_36 = arith.constant 0 : i32
      %dma_wait3A_37 = tpu.memref_slice %arg17[%multiple_of3A_25, %dma_wait3A_36] : memref<10112x128xf32, #tpu.memory_space<vmem_shared>> -> memref<632x128xf32, #tpu.memory_space<vmem_shared>>
      tpu.wait_dma2 semaphore(%run_scoped3A : memref<!tpu.dma_semaphore, #tpu.memory_space<semaphore_mem>>) src(%dma_wait3A_37 : memref<632x128xf32, #tpu.memory_space<vmem_shared>>) dst(%dma_wait3A_35 : memref<632x128xf32, #tpu.memory_space<hbm>>)
      tpu.yield
    }) : () -> ()
    %eq3A = arith.constant 0 : i32
    %eq3A_26 = arith.cmpi eq, %arg1, %eq3A : i32
    %convert_element_type3A_27 = arith.extui %eq3A_26 : i1 to i32
    %cond3A_28 = arith.constant 0 : i32
    %cond3A_29 = arith.cmpi ne, %convert_element_type3A_27, %cond3A_28 : i32
    scf.if %cond3A_29 {
      "tpu.region"() ({
        %run_scoped3A = tpu.sem_alloc : memref<!tpu.dma_semaphore, #tpu.memory_space<semaphore_mem>>
        %dma_start3A = arith.constant 0 : i32
        %dma_start3A_30 = arith.constant 0 : i32
        %dma_start3A_31 = tpu.memref_slice %arg8[%arg0, %dma_start3A, %dma_start3A_30] : memref<2x320x128xf32, #tpu.memory_space<hbm>> -> memref<1x320x128xf32, #tpu.memory_space<hbm>>
        %dma_start3A_32 = tpu.memref_squeeze %dma_start3A_31 : memref<1x320x128xf32, #tpu.memory_space<hbm>> -> memref<320x128xf32, #tpu.memory_space<hbm>>
        tpu.enqueue_dma source(%arg18 : memref<320x128xf32, #tpu.memory_space<vmem_shared>>) target(%dma_start3A_32 : memref<320x128xf32, #tpu.memory_space<hbm>>) target_semaphore(%run_scoped3A : memref<!tpu.dma_semaphore, #tpu.memory_space<semaphore_mem>>)
        %dma_wait3A = arith.constant 0 : i32
        %dma_wait3A_33 = arith.constant 0 : i32
        %dma_wait3A_34 = tpu.memref_slice %arg8[%arg0, %dma_wait3A, %dma_wait3A_33] : memref<2x320x128xf32, #tpu.memory_space<hbm>> -> memref<1x320x128xf32, #tpu.memory_space<hbm>>
        %dma_wait3A_35 = tpu.memref_squeeze %dma_wait3A_34 : memref<1x320x128xf32, #tpu.memory_space<hbm>> -> memref<320x128xf32, #tpu.memory_space<hbm>>
        tpu.wait_dma2 semaphore(%run_scoped3A : memref<!tpu.dma_semaphore, #tpu.memory_space<semaphore_mem>>) src(%arg18 : memref<320x128xf32, #tpu.memory_space<vmem_shared>>) dst(%dma_wait3A_35 : memref<320x128xf32, #tpu.memory_space<hbm>>)
        tpu.yield
      }) : () -> ()
    } else {
    }
    return
  }
}

module attributes {stable_mosaic.version = 14 : i64} {
  func.func @body(%arg0: memref<10112x128xf32, #tpu.memory_space<vmem>>, %arg1: memref<128x128xf32, #tpu.memory_space<vmem>>, %arg2: memref<128x256xf32, #tpu.memory_space<vmem>>, %arg3: memref<10112x128xf32, #tpu.memory_space<vmem>>, %arg4: memref<10112x256xf32, #tpu.memory_space<vmem>>) attributes {dimension_semantics = [], scalar_prefetch = 0 : i64, scratch_operands = 0 : i64, tpu.core_type = #tpu.core_type<tc>} {
    %get3A = arith.constant 0 : index
    %get3A_0 = arith.constant 0 : index
    %get3A_1 = vector.load %arg0[%get3A, %get3A_0] : memref<10112x128xf32, #tpu.memory_space<vmem>>, vector<10112x128xf32>
    %get3A_2 = arith.constant 0 : index
    %get3A_3 = arith.constant 0 : index
    %get3A_4 = vector.load %arg1[%get3A_2, %get3A_3] : memref<128x128xf32, #tpu.memory_space<vmem>>, vector<128x128xf32>
    %dot_general3A = arith.constant dense<0.000000e+00> : vector<10112x128xf32>
    %dot_general3A_5 = tpu.matmul %get3A_1, %get3A_4, %dot_general3A {dimension_numbers = #tpu.dot_dimension_numbers<[1], [0], [0], [1], [0, 0, 1, 1], [], []>, transpose_lhs_hint = false} : vector<10112x128xf32>, vector<128x128xf32>, vector<10112x128xf32> -> vector<10112x128xf32>
    %swap3A = arith.constant 0 : index
    %swap3A_6 = arith.constant 0 : index
    %swap3A_7 = vector.load %arg3[%swap3A, %swap3A_6] : memref<10112x128xf32, #tpu.memory_space<vmem>>, vector<10112x128xf32>
    tpu.vector_store %arg3[%swap3A, %swap3A_6], %dot_general3A_5 {strides = array<i32>} : memref<10112x128xf32, #tpu.memory_space<vmem>>, vector<10112x128xf32>,
    %get3A_8 = arith.constant 0 : index
    %get3A_9 = arith.constant 0 : index
    %get3A_10 = vector.load %arg2[%get3A_8, %get3A_9] : memref<128x256xf32, #tpu.memory_space<vmem>>, vector<128x256xf32>
    %dot_general3A_11 = arith.constant dense<0.000000e+00> : vector<10112x256xf32>
    %dot_general3A_12 = tpu.matmul %get3A_1, %get3A_10, %dot_general3A_11 {dimension_numbers = #tpu.dot_dimension_numbers<[1], [0], [0], [1], [0, 0, 1, 1], [], []>, transpose_lhs_hint = false} : vector<10112x128xf32>, vector<128x256xf32>, vector<10112x256xf32> -> vector<10112x256xf32>
    %swap3A_13 = arith.constant 0 : index
    %swap3A_14 = arith.constant 0 : index
    %swap3A_15 = vector.load %arg4[%swap3A_13, %swap3A_14] : memref<10112x256xf32, #tpu.memory_space<vmem>>, vector<10112x256xf32>
    tpu.vector_store %arg4[%swap3A_13, %swap3A_14], %dot_general3A_12 {strides = array<i32>} : memref<10112x256xf32, #tpu.memory_space<vmem>>, vector<10112x256xf32>,
    return
  }
}

module attributes {stable_mosaic.version = 14 : i64} {
  func.func @body(%arg0: i32, %arg1: memref<8192x16xf32, #tpu.memory_space<vmem>>, %arg2: memref<16x64xf32, #tpu.memory_space<vmem>>, %arg3: memref<1x64xf32, #tpu.memory_space<vmem>>, %arg4: memref<64x64xf32, #tpu.memory_space<vmem>>, %arg5: memref<1x64xf32, #tpu.memory_space<vmem>>, %arg6: memref<8192x64xf32, #tpu.memory_space<vmem>>) attributes {dimension_semantics = [#tpu.dimension_semantics<arbitrary>], iteration_bounds = array<i64: 40>, scalar_prefetch = 0 : i64, scratch_operands = 0 : i64, tpu.core_type = #tpu.core_type<tc>, window_params = [{transform_indices = @transform_0, window_bounds = array<i64: 8192, 16>}, {pipeline_mode = #tpu.pipeline_mode<synchronous>, transform_indices = @transform_1, window_bounds = array<i64: 16, 64>}, {pipeline_mode = #tpu.pipeline_mode<synchronous>, transform_indices = @transform_2, window_bounds = array<i64: 1, 64>}, {pipeline_mode = #tpu.pipeline_mode<synchronous>, transform_indices = @transform_3, window_bounds = array<i64: 64, 64>}, {pipeline_mode = #tpu.pipeline_mode<synchronous>, transform_indices = @transform_4, window_bounds = array<i64: 1, 64>}, {transform_indices = @transform_5, window_bounds = array<i64: 8192, 64>}]} {
    %get3A = arith.constant 0 : index
    %get3A_0 = arith.constant 0 : index
    %get3A_1 = vector.load %arg1[%get3A, %get3A_0] : memref<8192x16xf32, #tpu.memory_space<vmem>>, vector<8192x16xf32>
    %get3A_2 = arith.constant 0 : index
    %get3A_3 = arith.constant 0 : index
    %get3A_4 = vector.load %arg2[%get3A_2, %get3A_3] : memref<16x64xf32, #tpu.memory_space<vmem>>, vector<16x64xf32>
    %dot_general3A = arith.constant dense<0.000000e+00> : vector<8192x64xf32>
    %dot_general3A_5 = tpu.matmul %get3A_1, %get3A_4, %dot_general3A {dimension_numbers = #tpu.dot_dimension_numbers<[1], [0], [0], [1], [0, 0, 1, 1], [], []>, transpose_lhs_hint = false} : vector<8192x16xf32>, vector<16x64xf32>, vector<8192x64xf32> -> vector<8192x64xf32>
    %get3A_6 = arith.constant 0 : index
    %get3A_7 = arith.constant 0 : index
    %get3A_8 = vector.load %arg3[%get3A_6, %get3A_7] : memref<1x64xf32, #tpu.memory_space<vmem>>, vector<1x64xf32>
    %add3A = vector.broadcast %get3A_8 : vector<1x64xf32> to vector<8192x64xf32>
    %add3A_9 = arith.addf %dot_general3A_5, %add3A : vector<8192x64xf32>
    %max3A = arith.constant 0.000000e+00 : f32
    %max3A_10 = vector.broadcast %max3A : f32 to vector<8192x64xf32>
    %max3A_11 = arith.maximumf %add3A_9, %max3A_10 : vector<8192x64xf32>
    %abs3A = math.absf %add3A_9 : vector<8192x64xf32>
    %neg3A = arith.constant 0.000000e+00 : f32
    %neg3A_12 = vector.broadcast %neg3A : f32 to vector<8192x64xf32>
    %neg3A_13 = arith.subf %neg3A_12, %abs3A : vector<8192x64xf32>
    %exp3A = math.exp %neg3A_13 : vector<8192x64xf32>
    %log1p3A = math.log1p %exp3A : vector<8192x64xf32>
    %add3A_14 = arith.addf %max3A_11, %log1p3A : vector<8192x64xf32>
    %sub3A = arith.constant 0.693147182 : f32
    %sub3A_15 = vector.broadcast %sub3A : f32 to vector<8192x64xf32>
    %sub3A_16 = arith.subf %add3A_14, %sub3A_15 : vector<8192x64xf32>
    %get3A_17 = arith.constant 0 : index
    %get3A_18 = arith.constant 0 : index
    %get3A_19 = vector.load %arg4[%get3A_17, %get3A_18] : memref<64x64xf32, #tpu.memory_space<vmem>>, vector<64x64xf32>
    %dot_general3A_20 = arith.constant dense<0.000000e+00> : vector<8192x64xf32>
    %dot_general3A_21 = tpu.matmul %sub3A_16, %get3A_19, %dot_general3A_20 {dimension_numbers = #tpu.dot_dimension_numbers<[1], [0], [0], [1], [0, 0, 1, 1], [], []>, transpose_lhs_hint = false} : vector<8192x64xf32>, vector<64x64xf32>, vector<8192x64xf32> -> vector<8192x64xf32>
    %get3A_22 = arith.constant 0 : index
    %get3A_23 = arith.constant 0 : index
    %get3A_24 = vector.load %arg5[%get3A_22, %get3A_23] : memref<1x64xf32, #tpu.memory_space<vmem>>, vector<1x64xf32>
    %add3A_25 = vector.broadcast %get3A_24 : vector<1x64xf32> to vector<8192x64xf32>
    %add3A_26 = arith.addf %dot_general3A_21, %add3A_25 : vector<8192x64xf32>
    %swap3A = arith.constant 0 : index
    %swap3A_27 = arith.constant 0 : index
    %swap3A_28 = vector.load %arg6[%swap3A, %swap3A_27] : memref<8192x64xf32, #tpu.memory_space<vmem>>, vector<8192x64xf32>
    tpu.vector_store %arg6[%swap3A, %swap3A_27], %add3A_26 {strides = array<i32>} : memref<8192x64xf32, #tpu.memory_space<vmem>>, vector<8192x64xf32>,
    return
  }
  func.func @transform_0(%arg0: i32) -> (i32, i32) {
    %c0_i32 = arith.constant 0 : i32
    %c0_i32_0 = arith.constant 0 : i32
    return %arg0, %c0_i32 : i32, i32
  }
  func.func @transform_1(%arg0: i32) -> (i32, i32) {
    %c0_i32 = arith.constant 0 : i32
    %c0_i32_0 = arith.constant 0 : i32
    %c0_i32_1 = arith.constant 0 : i32
    return %c0_i32, %c0_i32_0 : i32, i32
  }
  func.func @transform_2(%arg0: i32) -> (i32, i32) {
    %c0_i32 = arith.constant 0 : i32
    %c0_i32_0 = arith.constant 0 : i32
    %c0_i32_1 = arith.constant 0 : i32
    return %c0_i32, %c0_i32_0 : i32, i32
  }
  func.func @transform_3(%arg0: i32) -> (i32, i32) {
    %c0_i32 = arith.constant 0 : i32
    %c0_i32_0 = arith.constant 0 : i32
    %c0_i32_1 = arith.constant 0 : i32
    return %c0_i32, %c0_i32_0 : i32, i32
  }
  func.func @transform_4(%arg0: i32) -> (i32, i32) {
    %c0_i32 = arith.constant 0 : i32
    %c0_i32_0 = arith.constant 0 : i32
    %c0_i32_1 = arith.constant 0 : i32
    return %c0_i32, %c0_i32_0 : i32, i32
  }
  func.func @transform_5(%arg0: i32) -> (i32, i32) {
    %c0_i32 = arith.constant 0 : i32
    %c0_i32_0 = arith.constant 0 : i32
    return %arg0, %c0_i32 : i32, i32
  }
}

module attributes {stable_mosaic.version = 14 : i64} {
  func.func @body(%arg0: memref<10000x128xf32, #tpu.memory_space<vmem>>, %arg1: memref<10000x128xf32, #tpu.memory_space<vmem>>, %arg2: memref<10000x128xf32, #tpu.memory_space<vmem>>, %arg3: memref<10000x4xf32, #tpu.memory_space<vmem>>, %arg4: memref<10000x4xf32, #tpu.memory_space<vmem>>, %arg5: memref<4x128xf32, #tpu.memory_space<vmem>>, %arg6: memref<128x128xf32, #tpu.memory_space<vmem>>, %arg7: memref<1x128xf32, #tpu.memory_space<vmem>>, %arg8: memref<128x128xf32, #tpu.memory_space<vmem>>, %arg9: memref<1x128xf32, #tpu.memory_space<vmem>>, %arg10: memref<128x128xf32, #tpu.memory_space<vmem>>, %arg11: memref<1x128xf32, #tpu.memory_space<vmem>>, %arg12: memref<1x128xf32, #tpu.memory_space<vmem>>, %arg13: memref<1x128xf32, #tpu.memory_space<vmem>>, %arg14: memref<10000x128xf32, #tpu.memory_space<vmem>>) attributes {dimension_semantics = [], scalar_prefetch = 0 : i64, scratch_operands = 0 : i64, tpu.core_type = #tpu.core_type<tc>} {
    %get3A = arith.constant 0 : index
    %get3A_0 = arith.constant 0 : index
    %get3A_1 = vector.load %arg1[%get3A, %get3A_0] : memref<10000x128xf32, #tpu.memory_space<vmem>>, vector<10000x128xf32>
    %get3A_2 = arith.constant 0 : index
    %get3A_3 = arith.constant 0 : index
    %get3A_4 = vector.load %arg2[%get3A_2, %get3A_3] : memref<10000x128xf32, #tpu.memory_space<vmem>>, vector<10000x128xf32>
    %add3A = arith.addf %get3A_1, %get3A_4 : vector<10000x128xf32>
    %get3A_5 = arith.constant 0 : index
    %get3A_6 = arith.constant 0 : index
    %get3A_7 = vector.load %arg3[%get3A_5, %get3A_6] : memref<10000x4xf32, #tpu.memory_space<vmem>>, vector<10000x4xf32>
    %get3A_8 = arith.constant 0 : index
    %get3A_9 = arith.constant 0 : index
    %get3A_10 = vector.load %arg4[%get3A_8, %get3A_9] : memref<10000x4xf32, #tpu.memory_space<vmem>>, vector<10000x4xf32>
    %add3A_11 = arith.addf %get3A_7, %get3A_10 : vector<10000x4xf32>
    %gt3A = arith.constant 0.000000e+00 : f32
    %gt3A_12 = vector.broadcast %gt3A : f32 to vector<10000x4xf32>
    %gt3A_13 = arith.cmpf ogt, %add3A_11, %gt3A_12 : vector<10000x4xf32>
    %jit3A = arith.constant 1.000000e+00 : f32
    %broadcast_in_dim3A = vector.broadcast %jit3A : f32 to vector<10000x4xf32>
    %select_n3A = arith.select %gt3A_13, %add3A_11, %broadcast_in_dim3A : vector<10000x4xi1>, vector<10000x4xf32>
    %gt3A_14 = arith.constant 0.000000e+00 : f32
    %gt3A_15 = vector.broadcast %gt3A_14 : f32 to vector<10000x4xf32>
    %gt3A_16 = arith.cmpf ogt, %add3A_11, %gt3A_15 : vector<10000x4xf32>
    %div3A = arith.constant 1.000000e+00 : f32
    %div3A_17 = vector.broadcast %div3A : f32 to vector<10000x4xf32>
    %div3A_18 = arith.divf %div3A_17, %select_n3A : vector<10000x4xf32>
    %jit3A_19 = arith.constant 0.000000e+00 : f32
    %broadcast_in_dim3A_20 = vector.broadcast %jit3A_19 : f32 to vector<10000x4xf32>
    %select_n3A_21 = arith.select %gt3A_16, %div3A_18, %broadcast_in_dim3A_20 : vector<10000x4xi1>, vector<10000x4xf32>
    %gt3A_22 = arith.constant 0.000000e+00 : f32
    %gt3A_23 = vector.broadcast %gt3A_22 : f32 to vector<10000x4xf32>
    %gt3A_24 = arith.cmpf ogt, %add3A_11, %gt3A_23 : vector<10000x4xf32>
    %convert_element_type3A = arith.extui %gt3A_24 : vector<10000x4xi1> to vector<10000x4xi32>
    %convert_element_type3A_25 = arith.sitofp %convert_element_type3A : vector<10000x4xi32> to vector<10000x4xf32>
    %get3A_26 = arith.constant 0 : index
    %get3A_27 = arith.constant 0 : index
    %get3A_28 = vector.load %arg5[%get3A_26, %get3A_27] : memref<4x128xf32, #tpu.memory_space<vmem>>, vector<4x128xf32>
    %dot_general3A = arith.constant dense<0.000000e+00> : vector<10000x128xf32>
    %dot_general3A_29 = tpu.matmul %select_n3A_21, %get3A_28, %dot_general3A {dimension_numbers = #tpu.dot_dimension_numbers<[1], [0], [0], [1], [0, 0, 1, 1], [], []>, transpose_lhs_hint = false} : vector<10000x4xf32>, vector<4x128xf32>, vector<10000x128xf32> -> vector<10000x128xf32>
    %get3A_30 = arith.constant 0 : index
    %get3A_31 = arith.constant 0 : index
    %get3A_32 = vector.load %arg5[%get3A_30, %get3A_31] : memref<4x128xf32, #tpu.memory_space<vmem>>, vector<4x128xf32>
    %dot_general3A_33 = arith.constant dense<0.000000e+00> : vector<10000x128xf32>
    %dot_general3A_34 = tpu.matmul %convert_element_type3A_25, %get3A_32, %dot_general3A_33 {dimension_numbers = #tpu.dot_dimension_numbers<[1], [0], [0], [1], [0, 0, 1, 1], [], []>, transpose_lhs_hint = false} : vector<10000x4xf32>, vector<4x128xf32>, vector<10000x128xf32> -> vector<10000x128xf32>
    %mul3A = arith.mulf %add3A, %dot_general3A_29 : vector<10000x128xf32>
    %get3A_35 = arith.constant 0 : index
    %get3A_36 = arith.constant 0 : index
    %get3A_37 = vector.load %arg6[%get3A_35, %get3A_36] : memref<128x128xf32, #tpu.memory_space<vmem>>, vector<128x128xf32>
    %dot_general3A_38 = arith.constant dense<0.000000e+00> : vector<10000x128xf32>
    %dot_general3A_39 = tpu.matmul %mul3A, %get3A_37, %dot_general3A_38 {dimension_numbers = #tpu.dot_dimension_numbers<[1], [0], [0], [1], [0, 0, 1, 1], [], []>, transpose_lhs_hint = false} : vector<10000x128xf32>, vector<128x128xf32>, vector<10000x128xf32> -> vector<10000x128xf32>
    %get3A_40 = arith.constant 0 : index
    %get3A_41 = arith.constant 0 : index
    %get3A_42 = vector.load %arg7[%get3A_40, %get3A_41] : memref<1x128xf32, #tpu.memory_space<vmem>>, vector<1x128xf32>
    %mul3A_43 = vector.broadcast %get3A_42 : vector<1x128xf32> to vector<10000x128xf32>
    %mul3A_44 = arith.mulf %dot_general3A_34, %mul3A_43 : vector<10000x128xf32>
    %add3A_45 = arith.addf %dot_general3A_39, %mul3A_44 : vector<10000x128xf32>
    %get3A_46 = arith.constant 0 : index
    %get3A_47 = arith.constant 0 : index
    %get3A_48 = vector.load %arg0[%get3A_46, %get3A_47] : memref<10000x128xf32, #tpu.memory_space<vmem>>, vector<10000x128xf32>
    %get3A_49 = arith.constant 0 : index
    %get3A_50 = arith.constant 0 : index
    %get3A_51 = vector.load %arg8[%get3A_49, %get3A_50] : memref<128x128xf32, #tpu.memory_space<vmem>>, vector<128x128xf32>
    %dot_general3A_52 = arith.constant dense<0.000000e+00> : vector<10000x128xf32>
    %dot_general3A_53 = tpu.matmul %get3A_48, %get3A_51, %dot_general3A_52 {dimension_numbers = #tpu.dot_dimension_numbers<[1], [0], [0], [1], [0, 0, 1, 1], [], []>, transpose_lhs_hint = false} : vector<10000x128xf32>, vector<128x128xf32>, vector<10000x128xf32> -> vector<10000x128xf32>
    %get3A_54 = arith.constant 0 : index
    %get3A_55 = arith.constant 0 : index
    %get3A_56 = vector.load %arg9[%get3A_54, %get3A_55] : memref<1x128xf32, #tpu.memory_space<vmem>>, vector<1x128xf32>
    %add3A_57 = vector.broadcast %get3A_56 : vector<1x128xf32> to vector<10000x128xf32>
    %add3A_58 = arith.addf %dot_general3A_53, %add3A_57 : vector<10000x128xf32>
    %add3A_59 = arith.addf %add3A_58, %add3A_45 : vector<10000x128xf32>
    %max3A = arith.constant 0.000000e+00 : f32
    %max3A_60 = vector.broadcast %max3A : f32 to vector<10000x128xf32>
    %max3A_61 = arith.maximumf %add3A_59, %max3A_60 : vector<10000x128xf32>
    %abs3A = math.absf %add3A_59 : vector<10000x128xf32>
    %neg3A = arith.constant 0.000000e+00 : f32
    %neg3A_62 = vector.broadcast %neg3A : f32 to vector<10000x128xf32>
    %neg3A_63 = arith.subf %neg3A_62, %abs3A : vector<10000x128xf32>
    %exp3A = math.exp %neg3A_63 : vector<10000x128xf32>
    %log1p3A = math.log1p %exp3A : vector<10000x128xf32>
    %add3A_64 = arith.addf %max3A_61, %log1p3A : vector<10000x128xf32>
    %sub3A = arith.constant 0.693147182 : f32
    %sub3A_65 = vector.broadcast %sub3A : f32 to vector<10000x128xf32>
    %sub3A_66 = arith.subf %add3A_64, %sub3A_65 : vector<10000x128xf32>
    %get3A_67 = arith.constant 0 : index
    %get3A_68 = arith.constant 0 : index
    %get3A_69 = vector.load %arg10[%get3A_67, %get3A_68] : memref<128x128xf32, #tpu.memory_space<vmem>>, vector<128x128xf32>
    %dot_general3A_70 = arith.constant dense<0.000000e+00> : vector<10000x128xf32>
    %dot_general3A_71 = tpu.matmul %sub3A_66, %get3A_69, %dot_general3A_70 {dimension_numbers = #tpu.dot_dimension_numbers<[1], [0], [0], [1], [0, 0, 1, 1], [], []>, transpose_lhs_hint = false} : vector<10000x128xf32>, vector<128x128xf32>, vector<10000x128xf32> -> vector<10000x128xf32>
    %get3A_72 = arith.constant 0 : index
    %get3A_73 = arith.constant 0 : index
    %get3A_74 = vector.load %arg11[%get3A_72, %get3A_73] : memref<1x128xf32, #tpu.memory_space<vmem>>, vector<1x128xf32>
    %add3A_75 = vector.broadcast %get3A_74 : vector<1x128xf32> to vector<10000x128xf32>
    %add3A_76 = arith.addf %dot_general3A_71, %add3A_75 : vector<10000x128xf32>
    %reduce_sum3A = arith.constant dense<0.000000e+00> : vector<10000xf32>
    %reduce_sum3A_77 = vector.multi_reduction <add>, %add3A_76, %reduce_sum3A [1] : vector<10000x128xf32> to vector<10000xf32>
    %broadcast_in_dim3A_78 = vector.shape_cast %reduce_sum3A_77 : vector<10000xf32> to vector<10000x1xf32>
    %div3A_79 = arith.constant 1.280000e+02 : f32
    %div3A_80 = vector.broadcast %div3A_79 : f32 to vector<10000x1xf32>
    %div3A_81 = arith.divf %broadcast_in_dim3A_78, %div3A_80 : vector<10000x1xf32>
    %sub3A_82 = vector.broadcast %div3A_81 : vector<10000x1xf32> to vector<10000x128xf32>
    %sub3A_83 = arith.subf %add3A_76, %sub3A_82 : vector<10000x128xf32>
    %integer_pow3A = arith.mulf %sub3A_83, %sub3A_83 : vector<10000x128xf32>
    %reduce_sum3A_84 = arith.constant dense<0.000000e+00> : vector<10000xf32>
    %reduce_sum3A_85 = vector.multi_reduction <add>, %integer_pow3A, %reduce_sum3A_84 [1] : vector<10000x128xf32> to vector<10000xf32>
    %broadcast_in_dim3A_86 = vector.shape_cast %reduce_sum3A_85 : vector<10000xf32> to vector<10000x1xf32>
    %div3A_87 = arith.constant 1.280000e+02 : f32
    %div3A_88 = vector.broadcast %div3A_87 : f32 to vector<10000x1xf32>
    %div3A_89 = arith.divf %broadcast_in_dim3A_86, %div3A_88 : vector<10000x1xf32>
    %sub3A_90 = vector.broadcast %div3A_81 : vector<10000x1xf32> to vector<10000x128xf32>
    %sub3A_91 = arith.subf %add3A_76, %sub3A_90 : vector<10000x128xf32>
    %add3A_92 = arith.constant 9.99999974E-6 : f32
    %add3A_93 = vector.broadcast %add3A_92 : f32 to vector<10000x1xf32>
    %add3A_94 = arith.addf %div3A_89, %add3A_93 : vector<10000x1xf32>
    %rsqrt3A = math.rsqrt %add3A_94 : vector<10000x1xf32>
    %mul3A_95 = vector.broadcast %rsqrt3A : vector<10000x1xf32> to vector<10000x128xf32>
    %mul3A_96 = arith.mulf %sub3A_91, %mul3A_95 : vector<10000x128xf32>
    %get3A_97 = arith.constant 0 : index
    %get3A_98 = arith.constant 0 : index
    %get3A_99 = vector.load %arg12[%get3A_97, %get3A_98] : memref<1x128xf32, #tpu.memory_space<vmem>>, vector<1x128xf32>
    %mul3A_100 = vector.broadcast %get3A_99 : vector<1x128xf32> to vector<10000x128xf32>
    %mul3A_101 = arith.mulf %mul3A_96, %mul3A_100 : vector<10000x128xf32>
    %get3A_102 = arith.constant 0 : index
    %get3A_103 = arith.constant 0 : index
    %get3A_104 = vector.load %arg13[%get3A_102, %get3A_103] : memref<1x128xf32, #tpu.memory_space<vmem>>, vector<1x128xf32>
    %add3A_105 = vector.broadcast %get3A_104 : vector<1x128xf32> to vector<10000x128xf32>
    %add3A_106 = arith.addf %mul3A_101, %add3A_105 : vector<10000x128xf32>
    %swap3A = arith.constant 0 : index
    %swap3A_107 = arith.constant 0 : index
    %swap3A_108 = vector.load %arg14[%swap3A, %swap3A_107] : memref<10000x128xf32, #tpu.memory_space<vmem>>, vector<10000x128xf32>
    tpu.vector_store %arg14[%swap3A, %swap3A_107], %add3A_106 {strides = array<i32>} : memref<10000x128xf32, #tpu.memory_space<vmem>>, vector<10000x128xf32>,
    return
  }
}

</mosaic_0001>

<sc_bundles>
// kernel: kernel.6.cloned.1.call-start
scs
__scs_entry_jumppad:
0x0: {  	(pc) =	sbr.rel $0x88, $3  }
0x1: {  	(tag) =	ssettag $0x0;
	lr =	simm.s32 $0x1  }
0x2: {  	[smem:$0x3F8A] =	sst lr;
	_ =	strace $0xD0000000  }
0x3: {  	_ = 	snop  }
0x4: {  	_ = 	snop  }
0x5: {  	_ = 	snop  }
0x6: {  	_ = 	snop  }
0x7: {  	_ = 	snop  }
__scs_overlays_trampoline_lowered:
0x8: {  	[smem:$0x3F99] =	sst s0  }
0x9: {  	[smem:$0x3F9A] =	sst s1  }
0xa: {  	[smem:$0x3F9B] =	sst s2  }
0xb: {  	[smem:$0x3F9C] =	sst s3  }
0xc: {  	[smem:$0x3F9D] =	sst s4  }
0xd: {  	[smem:$0x3F9E] =	sst s5  }
0xe: {  	[smem:$0x3F9F] =	sst s6  }
0xf: {  	[smem:$0x3FA0] =	sst s7  }
0x10: {  	[smem:$0x3FA1] =	sst s8  }
0x11: {  	[smem:$0x3FA2] =	sst s9;
	s0 =	simm.s32 @!p0 $0x0  }
0x12: {  	s1 =	sld [smem:$0x3F88];
	s0 =	simm.s32 @p0 $0x1  }
0x13: {  	[smem:$0x3FA3] =	sst s0;
	s0 =	simm.s32 @!p1 $0x0  }
0x14: {  	s2 =	sld [smem:$0x3F87];
	s0 =	simm.s32 @p1 $0x1  }
0x15: {  	[smem:$0x3FA4] =	sst s0;
	s0 =	simm.s32 @!p2 $0x0  }
0x16: {  	s3 =	sld [smem:$0x3FDB];
	s0 =	simm.s32 @p2 $0x1  }
0x17: {  	s4 =	simm.s32 $0x1BF5;
	[smem:$0x3FA6] =	sst s0  }
0x18: {  	s0 =	sld [smem:$0x3F89];
	_ =	swait.ge [sflag:s4], $0x0  }
0x19: {  	s7 =	sld [smem:$0x3F8A]  }
0x1a: {  	s8 =	sadd.s32 $0xFFFFE003, lr  }
0x1b: {  	s9 =	sadd.s32 $0xFFFFFEF7, lr;
	s5 =	simm.s32 $0xFFFFFFFF;
	p2 =	slt.u32 s8, $0xFFFFF086  }
0x1c: {  	p1 =	slt.u32 s9, $0xF7A;
	s5 =	simm.s32 @!p2 $0x0  }
0x1d: {  	s5 =	simm.s32 @p1 $0x1;
	p0 =	seq.s32 s7, s2  }
0x1e: {  	s7 =	smul.u32 @!p0 $0xF7A, s2;
	p2 =	seq.s32 @!p0 s5, $0x0  }
0x1f: {  	s9 =	smul.u32 $0xF7A, s1;
	s8 =	simm.s32 @!p0 $0x1BF5;
	p2 =	por !p2, p0  }
0x20: {  	[sflag:s8] =	ssyncset.s32 @!p0 $0xFFFFF086;
	s6 =	sadd.s32 @!p0 s3, s7;
	s7 =	simm.s32 @!p0 $0x108  }
0x21: {  	s3 =	sadd.s32 s3, s9;
	s6 =	sadd.s32 @!p0 $0x88, s6;
	s7 =	simm.s32 @p2 $0x1082  }
0x22: {  	[simem:s7], [sflag:s8] =	dma.local @!p0 [hbm:s6], $0xF7A  }
0x23: {  	s9 =	sor.u32 $0xD0000000, s2;
	s6 =	simm.s32 $0x108;
	_ =	swait.ge @!p0 [sflag:s8], $0x0  }
0x24: {  	s3 =	sadd.s32 $0x88, s3;
	s6 =	simm.s32 @!p1 $0x1082;
	[sflag:s4] =	ssyncset.s32 $0xFFFFF086  }
0x25: {  	[simem:s6], [sflag:s4] =	dma.local [hbm:s3], $0xF7A  }
0x26: {  	[smem:$0x3F8A] =	sst s1;
	(tag) =	ssettag s2;
	_ =	strace s9  }
0x27: {  	s1 =	sld [smem:$0x3F9A]  }
0x28: {  	s2 =	sld [smem:$0x3F9B]  }
0x29: {  	s4 =	sld [smem:$0x3F9D]  }
0x2a: {  	p0 =	seq.s32 s5, $0x0;
	s5 =	sld [smem:$0x3F9E]  }
0x2b: {  	s6 =	sld [smem:$0x3F9F]  }
0x2c: {  	s7 =	sld [smem:$0x3FA0]  }
0x2d: {  	s3 =	simm.s32 $0x108;
	s8 =	sld [smem:$0x3FA1]  }
0x2e: {  	s3 =	simm.s32 @!p0 $0x1082;
	s9 =	sld [smem:$0x3FA2]  }
0x2f: {  	lr =	sadd.s32 s0, s3;
	s0 =	sld [smem:$0x3F99]  }
0x30: {  	s3 =	sld [smem:$0x3F9C]  }
0x31: {  	[smem:$0x3FA5] =	sst s10  }
0x32: {  	s10 =	sld [smem:$0x3FA3];
	_ =	sdelay $0x3  }
0x33: {  	p0 =	seq.s32 s10, $0x1;
	s10 =	sld [smem:$0x3FA5];
	_ =	sdelay $0x3  }
0x34: {  	[smem:$0x3FA5] =	sst s10  }
0x35: {  	s10 =	sld [smem:$0x3FA4];
	_ =	sdelay $0x3  }
0x36: {  	p1 =	seq.s32 s10, $0x1;
	s10 =	sld [smem:$0x3FA5];
	_ =	sdelay $0x3  }
0x37: {  	[smem:$0x3FA5] =	sst s10  }
0x38: {  	s10 =	sld [smem:$0x3FA6]  }
0x39: {  	_ = 	snop;
	(pc) =	sbr.ind lr, $3  }
0x3a: {  	_ = 	snop  }
0x3b: {  	_ = 	snop  }
0x3c: {  	p2 =	seq.s32 s10, $0x1;
	s10 =	sld [smem:$0x3FA5]  }
0x3d: {  	_ =	shalt  }
0x3e: {  	_ =	shalt  }
0x3f: {  	_ =	shalt  }
0x40: {  	_ =	shalt  }
0x41: {  	_ =	shalt  }
0x42: {  	_ =	shalt  }
0x43: {  	_ =	shalt  }
0x44: {  	_ =	shalt  }
0x45: {  	_ =	shalt  }
0x46: {  	_ =	shalt  }
0x47: {  	_ =	shalt  }
0x48: {  	_ =	shalt  }
0x49: {  	_ =	shalt  }
0x4a: {  	_ =	shalt  }
0x4b: {  	_ =	shalt  }
0x4c: {  	_ =	shalt  }
0x4d: {  	_ =	shalt  }
0x4e: {  	_ =	shalt  }
0x4f: {  	_ =	shalt  }
0x50: {  	_ =	shalt  }
0x51: {  	_ =	shalt  }
0x52: {  	_ =	shalt  }
0x53: {  	_ =	shalt  }
0x54: {  	_ =	shalt  }
0x55: {  	_ =	shalt  }
0x56: {  	_ =	shalt  }
0x57: {  	_ =	shalt  }
0x58: {  	_ =	shalt  }
0x59: {  	_ =	shalt  }
0x5a: {  	_ =	shalt  }
0x5b: {  	_ =	shalt  }
0x5c: {  	_ =	shalt  }
0x5d: {  	_ =	shalt  }
0x5e: {  	_ =	shalt  }
0x5f: {  	_ =	shalt  }
0x60: {  	_ =	shalt  }
0x61: {  	_ =	shalt  }
0x62: {  	_ =	shalt  }
0x63: {  	_ =	shalt  }
0x64: {  	_ =	shalt  }
0x65: {  	_ =	shalt  }
0x66: {  	_ =	shalt  }
0x67: {  	_ =	shalt  }
0x68: {  	_ =	shalt  }
0x69: {  	_ =	shalt  }
0x6a: {  	_ =	shalt  }
0x6b: {  	_ =	shalt  }
0x6c: {  	_ =	shalt  }
0x6d: {  	_ =	shalt  }
0x6e: {  	_ =	shalt  }
0x6f: {  	_ =	shalt  }
0x70: {  	_ =	shalt  }
0x71: {  	_ =	shalt  }
0x72: {  	_ =	shalt  }
0x73: {  	_ =	shalt  }
0x74: {  	_ =	shalt  }
0x75: {  	_ =	shalt  }
0x76: {  	_ =	shalt  }
0x77: {  	_ =	shalt  }
0x78: {  	_ =	shalt  }
0x79: {  	_ =	shalt  }
0x7a: {  	_ =	shalt  }
0x7b: {  	_ =	shalt  }
0x7c: {  	_ =	shalt  }
0x7d: {  	_ =	shalt  }
0x7e: {  	_ =	shalt  }
0x7f: {  	_ =	shalt  }
0x80: {  	_ =	shalt  }
0x81: {  	_ =	shalt  }
0x82: {  	_ =	shalt  }
0x83: {  	_ =	shalt  }
0x84: {  	_ =	shalt  }
0x85: {  	_ =	shalt  }
0x86: {  	_ =	shalt  }
0x87: {  	_ =	shalt  }
.Lfunc_end0:
.L_simem_size_0:
called_computation_lowered:
.L_overlay_start_0:
0x88: {  	s2 =	sld [smem:$0x3FD9]  }
0x89: {  	s3 =	sld [smem:$0x3FFE];
	_ =	sdelay $0x1  }
0x8a: {  	s1 =	srdreg.scid  }
0x8b: {  	s0 =	sand.u32 $0x1, s1  }
0x8c: {  	s17 =	sshll.u32 s0, $0xA;
	s2 =	sadd.s32 s3, s2  }
0x8d: {  	s2 =	sadd.s32 s2, s17  }
0x8e: {  	[smem:$0x3FB1] =	sst s2  }
0x8f: {  	_ = 	snop  }
0x90: {  	s2 =	sld [smem:$0x3FD0];
	(tm) =	ssettm $0x1  }
0x91: {  	s18 =	sld [smem:$0x3FFB];
	_ =	sdelay $0x3  }
0x92: {  	_ =	strace s18  }
0x93: {  	s3 =	sld [smem:$0x3FFC];
	_ =	sdelay $0x3  }
0x94: {  	_ =	strace s3  }
0x95: {  	s3 =	sld [smem:$0x3FFD];
	_ =	sdelay $0x3  }
0x96: {  	_ =	strace s3  }
0x97: {  	_ =	strace $0x8FFFFFFF  }
0x98: {  	s19 =	sld [smem:$0x3FDB];
	_ =	sdelay $0x1  }
0x99: {  	s4 =	simm.s32 $_scs_section_size  }
0x9a: {  	s5 =	simm.s32 $_size__tile_overlayer_lowered;
	s6 =	simm.s32 $_tile_overlayer_lowered  }
0x9b: {  	s22 =	simm.s32 $0x1BFF;
	s21 =	sshll.u32 s6, $0x1;
	s3 =	sadd.s32 s4, s19  }
0x9c: {  	s7 =	simm.s32 $0x0;
	s20 =	sshll.u32 s5, $0x1;
	s5 =	sadd.s32 s21, s3  }
0x9d: {  	[timem:s7], [sflag:s22] =	dma.local [hbm:s5], s20  }
0x9e: {  	_ =	swait.ge [sflag:s22], s20  }
0x9f: {  	s4 =	ssub.s32 $0x0, s20;
	[sflag:s22] =	ssyncset.done $0x0  }
0xa0: {  	[sflag:s22] =	ssyncadd.s32 s4;
	_ =	sdelay $0x1  }
0xa1: {  	s23 =	simm.s32 $0x1B8B  }
0xa2: {  	_ =	swait.ge [sflag:s23], $0x1  }
0xa3: {  	[sflag:s23] =	ssyncset.done $0x0  }
0xa4: {  	s25 =	simm.s32 $0x1B8E;
	s24 =	sld [smem:$0x3FFE];
	[sflag:s23] =	ssyncadd.s32 $0xFFFFFFFF  }
0xa5: {  	s26 =	simm.s32 $execute0_lowered;
	[smem:$0x3FD2] =	sst s25  }
0xa6: {  	s5 =	sshll.u32 s26, $0x1;
	_ =	strace $0x80000046;
	[dreg:$0x1] =	wrdreg $0xFFFFFFFF  }
0xa7: {  	s28 =	simm.s32 $_size_execute0_lowered;
	s3 =	sadd.s32 s3, s5;
	[dreg:$0x0] =	wrdreg $0x0  }
0xa8: {  	s5 =	sshll.u32 s28, $0x1;
	[dreg:$0x2] =	wrdreg s3  }
0xa9: {  	[dreg:$0x3] =	wrdreg s5  }
0xaa: {  	[dreg:$0x4] =	wrdreg $0xC0  }
0xab: {  	_ =	task [dreg:s7], $0x5FFFF  }
0xac: {  	[dreg:$0x1] =	wrdreg $0xFFFFFFFF  }
0xad: {  	[dreg:$0x0] =	wrdreg $0x60  }
0xae: {  	[dreg:$0x2] =	wrdreg s24  }
0xaf: {  	[dreg:$0x3] =	wrdreg s2  }
0xb0: {  	[dreg:$0x4] =	wrdreg $0x61800  }
0xb1: {  	[dreg:$0x5] =	wrdreg $0x19D800  }
0xb2: {  	[dreg:$0x6] =	wrdreg $0x9  }
0xb3: {  	_ =	task.clear_ibuf [dreg:s7], $0x7FFFF;
	_ =	strace $0x90000046  }
0xb4: {  	s29 =	simm.s32 $0x9;
	_ =	strace $0x80000048  }
0xb5: {  	_ =	swait.ge [sflag:s29], $0x1  }
0xb6: {  	[sflag:s29] =	ssyncadd.s32 $0xFFFFFFFF  }
0xb7: {  	_ =	strace $0x90000048  }
0xb8: {  	_ =	sfence  }
0xb9: {  	s30 =	sld [smem:$0x0];
	_ =	sdelay $0x2  }
0xba: {  	s31 =	sshll.u32 s1, $0xD;
	s1 =	sshrl.u32 s1, $0x2  }
0xbb: {  	s3 =	sand.u32 $0x4000, s31;
	s1 =	sadd.s32 s1, s30  }
0xbc: {  	s0 =	sor.u32 s3, s0;
	s1 =	sshll.u32 s1, $0x11  }
0xbd: {  	s0 =	sor.u32 s1, s0  }
0xbe: {  	s0 =	sadd.s32 $0x8F2B, s0  }
0xbf: {  	[sflag:s0] =	ssyncadd.remote.s32 $0x1  }
0xc0: {  	_ =	sfence.sel $0xFFFF  }
0xc1: {  	[dreg:$0x0] =	wrdreg $0xFFFFFFFF;
	(pc) =	sbr.abs _section_cstart, $3  }
0xc2: {  	[dreg:$0x1] =	wrdreg $0xFFFFFFFF  }
0xc3: {  	_ =	task.clear_ibuf [dreg:s7], $0x2FFFF;
	_ =	strace $0x9FFFFFFF  }
0xc4: {  	(tm) =	ssettm $0x7FFFFFFF  }
0xc5: {  	_ =	shalt  }
tec
execute0_lowered:
.L_overlay_start_1:
0x0: {  	(tag) =	ssettag $0x1  }
0x1: {  	s0 =	rddreg [dreg:$0x0]  }
0x2: {  	s3 =	rddreg [dreg:$0x2]  }
0x3: {  	s13 =	rddreg [dreg:$0x3];
	s1 =	srdreg.scid  }
0x4: {  	s4 =	simm.s32 $0x0;
	s14 =	stileid.u32;
	s28 =	simm.s32 $0x5180  }
0x5: {  	s30 =	simm.s32 $0x0;
	s1 =	sand.u32 $0x1, s1;
	s5 =	smul.u32 $0x13C00, s14  }
0x6: {  	[smem:$0x7FF] =	sst s4;
	s11 =	smul.u32 $0x4F000, s14;
	s10 =	ssub.s32 $0x2, s1  }
0x7: {  	s26 =	sshll.u32 s14, $0xC;
	s2 =	smul.u32 $0x13C000, s1;
	s12 =	sshrl.u32 s10, $0x1  }
0x8: {  	s24 =	sshrl.u32 s11, $0x2;
	s23 =	ssub.s32 s10, s12;
	s10 =	sadd.s32 s26, s13  }
0x9: {  	_ =	strace $0x80000047;
	s3 =	sadd.s32 s24, s3;
	[dreg:$0x7] =	wrdreg s10  }
0xa: {  	s6 =	sadd.s32 $0x12200, s0;
	s29 =	sadd.s32 $0x13000, s3;
	[dreg:$0x5] =	wrdreg s3  }
0xb: {  	s2 =	sadd.s32 s5, s2;
	s5 =	sadd.s32 $0x1000, s3;
	[dreg:$0x6] =	wrdreg s29  }
0xc: {  	s7 =	sadd.s32 $0x39A00, s0;
	s10 =	sadd.s32 $0x2000, s3;
	[dreg:$0xb] =	wrdreg s5  }
0xd: {  	s8 =	sadd.s32 $0x9EA200, s0;
	s11 =	sadd.s32 $0x3000, s3;
	[dreg:$0xc] =	wrdreg s10  }
0xe: {  	s9 =	sadd.s32 $0x8200, s0;
	s12 =	sadd.s32 $0x4000, s3;
	[dreg:$0xd] =	wrdreg s11  }
0xf: {  	s25 =	sshll.u32 s14, $0x1;
	s15 =	sadd.s32 $0x5000, s3;
	[dreg:$0xe] =	wrdreg s12  }
0x10: {  	p1 =	sgt.u32 s14, $0x9;
	s16 =	sadd.s32 $0x6000, s3;
	[dreg:$0xf] =	wrdreg s15  }
0x11: {  	p0 =	sne.s32 s14, $0x0;
	s17 =	sadd.s32 $0x7000, s3;
	[dreg:$0x10] =	wrdreg s16  }
0x12: {  	s14 =	simm.s32 $0x4180;
	s18 =	sadd.s32 $0x8000, s3;
	[dreg:$0x11] =	wrdreg s17  }
0x13: {  	s22 =	smul.u32 $0x1400, s1;
	s19 =	sadd.s32 $0x9000, s3;
	[dreg:$0x12] =	wrdreg s18  }
0x14: {  	s1 =	sor.u32 s1, s25;
	s20 =	sadd.s32 $0xA000, s3;
	[dreg:$0x13] =	wrdreg s19  }
0x15: {  	s13 =	smul.u32 $0x2800, s1;
	s21 =	sadd.s32 $0xB000, s3;
	[dreg:$0x14] =	wrdreg s20  }
0x16: {  	s2 =	sshrl.u32 s2, $0x3;
	s24 =	sadd.s32 $0xE000, s3;
	[dreg:$0x15] =	wrdreg s21  }
0x17: {  	s25 =	sadd.s32 $0xF000, s3;
	s26 =	sadd.s32 $0x10000, s3;
	[dreg:$0x18] =	wrdreg s24  }
0x18: {  	s2 =	sadd.s32 s2, s0;
	s0 =	sadd.s32 s22, s0;
	[dreg:$0x19] =	wrdreg s25  }
0x19: {  	s22 =	sadd.s32 $0xC000, s3;
	[dreg:$0x1a] =	wrdreg s26;
	s29 =	sadd.s32 $0x11000, s3  }
0x1a: {  	s15 =	simm.s32 $0x3;
	s17 =	simm.s32 $0x20;
	s18 =	simm.s32 $0x180  }
0x1b: {  	s19 =	simm.s32 $0x1180;
	s20 =	simm.s32 $0x1980;
	[dreg:$0x16] =	wrdreg s22  }
0x1c: {  	s21 =	simm.s32 $0x2180;
	s31 =	sadd.s32 $0x8B200, s2;
	[dreg:$0x1b] =	wrdreg s29  }
0x1d: {  	s24 =	simm.s32 $0x1;
	s0 =	sadd.s32 $0x88A00, s0;
	[dreg:$0x8] =	wrdreg s31  }
0x1e: {  	s25 =	simm.s32 $0x2;
	s2 =	smax.u32 s23, $0x1;
	[dreg:$0x9] =	wrdreg s0  }
0x1f: {  	v0 =	vlaneseq.u32;
	s26 =	simm.s32 $0x100;
	s23 =	sadd.s32 $0xD000, s3;
	[dreg:$0xa] =	wrdreg s2  }
0x20: {  	v1 =	vimm.f32 $0.0e+00;
	vm0 =	vmmov $0xffff;
	v3 =	vshrl.u32 v0, $0x3;
	s22 =	simm.s32 $0x2980;
	[dreg:$0x17] =	wrdreg s23;
	s31 =	sadd.s32 $0x12000, s3  }
0x21: {  	v2 =	vand.u32 $0x7, v0;
	v4 =	vor.u32 $0x8, v0;
	v3 =	vmul.u32 $0x8, v3;
	s23 =	simm.s32 $0x3180;
	s2 =	simm.s32 $0x0;
	[dreg:$0x1c] =	wrdreg s31  }
.LBB2_1:
0x22: {  	s0 =	simm.s32 $0x0;
	s1 =	simm.s32 $0x200  }
.LBB2_2:
0x23: {  	p2 =	sne.s32 s1, $0x3E00;
	[tilespmem:s0+$0x41F0] =	vst v1  }
0x24: {  	[tilespmem:s0+$0x4180] =	vst v1  }
0x25: {  	[tilespmem:s0+$0x4190] =	vst v1  }
.Ltmp0:
0x26: {  	[tilespmem:s0+$0x41A0] =	vst v1;
	(pc) =	sbr.rel @p2 .LBB2_2-.Ltmp0, $4  }
0x27: {  	[tilespmem:s0+$0x41B0] =	vst v1  }
0x28: {  	[tilespmem:s0+$0x41C0] =	vst v1  }
0x29: {  	[tilespmem:s0+$0x41D0] =	vst v1  }
0x2a: {  	[tilespmem:s0+$0x41E0] =	vst v1;
	s0 =	sshra.s32 s1, $0x2;
	s1 =	sadd.s32 $0x200, s1  }
0x2b: {  	[tilespmem:s0+$0x41F0] =	vst v1  }
0x2c: {  	[tilespmem:s0+$0x4180] =	vst v1  }
0x2d: {  	[tilespmem:s0+$0x4190] =	vst v1  }
0x2e: {  	[tilespmem:s0+$0x41A0] =	vst v1  }
0x2f: {  	[tilespmem:s0+$0x41B0] =	vst v1  }
0x30: {  	[tilespmem:s0+$0x41C0] =	vst v1  }
0x31: {  	[tilespmem:s0+$0x41D0] =	vst v1  }
0x32: {  	[dreg:$0x1d] =	wrdreg s2;
	[tilespmem:s0+$0x41E0] =	vst v1  }
0x33: {  	[spmem:s3] =	stream.linear.scatter [tilespmem:s14], [sflag:$0x3], $0x1000, $0x38;
	[tilespmem:$0x1A780] =	vst v63  }
0x34: {  	_ =	swait.ge [sflag:s15], $0x1000  }
0x35: {  	[sflag:s15] =	ssyncset.done $0x0  }
0x36: {  	s29 =	rddreg [dreg:$0xb];
	[sflag:s15] =	ssyncadd.s32 $0xFFFFF000  }
0x37: {  	[spmem:s29] =	stream.linear.scatter [tilespmem:s14], [sflag:$0x3], $0x1000, $0x38;
	[tilespmem:$0x1A780] =	vst v63  }
0x38: {  	_ =	swait.ge [sflag:s15], $0x1000  }
0x39: {  	[sflag:s15] =	ssyncset.done $0x0  }
0x3a: {  	s1 =	rddreg [dreg:$0xc];
	[sflag:s15] =	ssyncadd.s32 $0xFFFFF000  }
0x3b: {  	[spmem:s1] =	stream.linear.scatter [tilespmem:s14], [sflag:$0x3], $0x1000, $0x38;
	[tilespmem:$0x1A780] =	vst v63  }
0x3c: {  	_ =	swait.ge [sflag:s15], $0x1000  }
0x3d: {  	[sflag:s15] =	ssyncset.done $0x0  }
0x3e: {  	s2 =	rddreg [dreg:$0xd];
	[sflag:s15] =	ssyncadd.s32 $0xFFFFF000  }
0x3f: {  	[spmem:s2] =	stream.linear.scatter [tilespmem:s14], [sflag:$0x3], $0x1000, $0x38;
	[tilespmem:$0x1A780] =	vst v63  }
0x40: {  	_ =	swait.ge [sflag:s15], $0x1000  }
0x41: {  	[sflag:s15] =	ssyncset.done $0x0  }
0x42: {  	s3 =	rddreg [dreg:$0xe];
	[sflag:s15] =	ssyncadd.s32 $0xFFFFF000  }
0x43: {  	[spmem:s3] =	stream.linear.scatter [tilespmem:s14], [sflag:$0x3], $0x1000, $0x38;
	[tilespmem:$0x1A780] =	vst v63  }
0x44: {  	_ =	swait.ge [sflag:s15], $0x1000  }
0x45: {  	[sflag:s15] =	ssyncset.done $0x0  }
0x46: {  	s5 =	rddreg [dreg:$0xf];
	[sflag:s15] =	ssyncadd.s32 $0xFFFFF000  }
0x47: {  	[spmem:s5] =	stream.linear.scatter [tilespmem:s14], [sflag:$0x3], $0x1000, $0x38;
	[tilespmem:$0x1A780] =	vst v63  }
0x48: {  	_ =	swait.ge [sflag:s15], $0x1000  }
0x49: {  	[sflag:s15] =	ssyncset.done $0x0  }
0x4a: {  	s10 =	rddreg [dreg:$0x10];
	[sflag:s15] =	ssyncadd.s32 $0xFFFFF000  }
0x4b: {  	[spmem:s10] =	stream.linear.scatter [tilespmem:s14], [sflag:$0x3], $0x1000, $0x38;
	[tilespmem:$0x1A780] =	vst v63  }
0x4c: {  	_ =	swait.ge [sflag:s15], $0x1000  }
0x4d: {  	[sflag:s15] =	ssyncset.done $0x0  }
0x4e: {  	s11 =	rddreg [dreg:$0x11];
	[sflag:s15] =	ssyncadd.s32 $0xFFFFF000  }
0x4f: {  	[spmem:s11] =	stream.linear.scatter [tilespmem:s14], [sflag:$0x3], $0x1000, $0x38;
	[tilespmem:$0x1A780] =	vst v63  }
0x50: {  	_ =	swait.ge [sflag:s15], $0x1000  }
0x51: {  	[sflag:s15] =	ssyncset.done $0x0  }
0x52: {  	s12 =	rddreg [dreg:$0x12];
	[sflag:s15] =	ssyncadd.s32 $0xFFFFF000  }
0x53: {  	[spmem:s12] =	stream.linear.scatter [tilespmem:s14], [sflag:$0x3], $0x1000, $0x38;
	[tilespmem:$0x1A780] =	vst v63  }
0x54: {  	_ =	swait.ge [sflag:s15], $0x1000  }
0x55: {  	[sflag:s15] =	ssyncset.done $0x0  }
0x56: {  	s16 =	rddreg [dreg:$0x13];
	[sflag:s15] =	ssyncadd.s32 $0xFFFFF000  }
0x57: {  	[spmem:s16] =	stream.linear.scatter [tilespmem:s14], [sflag:$0x3], $0x1000, $0x38;
	[tilespmem:$0x1A780] =	vst v63  }
0x58: {  	_ =	swait.ge [sflag:s15], $0x1000  }
0x59: {  	[sflag:s15] =	ssyncset.done $0x0  }
0x5a: {  	s29 =	rddreg [dreg:$0x14];
	[sflag:s15] =	ssyncadd.s32 $0xFFFFF000  }
0x5b: {  	[spmem:s29] =	stream.linear.scatter [tilespmem:s14], [sflag:$0x3], $0x1000, $0x38;
	[tilespmem:$0x1A780] =	vst v63  }
0x5c: {  	_ =	swait.ge [sflag:s15], $0x1000  }
0x5d: {  	[sflag:s15] =	ssyncset.done $0x0  }
0x5e: {  	s1 =	rddreg [dreg:$0x15];
	[sflag:s15] =	ssyncadd.s32 $0xFFFFF000  }
0x5f: {  	[spmem:s1] =	stream.linear.scatter [tilespmem:s14], [sflag:$0x3], $0x1000, $0x38;
	[tilespmem:$0x1A780] =	vst v63  }
0x60: {  	_ =	swait.ge [sflag:s15], $0x1000  }
0x61: {  	[sflag:s15] =	ssyncset.done $0x0  }
0x62: {  	s2 =	rddreg [dreg:$0x16];
	[sflag:s15] =	ssyncadd.s32 $0xFFFFF000  }
0x63: {  	[spmem:s2] =	stream.linear.scatter [tilespmem:s14], [sflag:$0x3], $0x1000, $0x38;
	[tilespmem:$0x1A780] =	vst v63  }
0x64: {  	_ =	swait.ge [sflag:s15], $0x1000  }
0x65: {  	[sflag:s15] =	ssyncset.done $0x0  }
0x66: {  	s3 =	rddreg [dreg:$0x17];
	[sflag:s15] =	ssyncadd.s32 $0xFFFFF000  }
0x67: {  	[spmem:s3] =	stream.linear.scatter [tilespmem:s14], [sflag:$0x3], $0x1000, $0x38;
	[tilespmem:$0x1A780] =	vst v63  }
0x68: {  	_ =	swait.ge [sflag:s15], $0x1000  }
0x69: {  	[sflag:s15] =	ssyncset.done $0x0  }
0x6a: {  	s5 =	rddreg [dreg:$0x18];
	[sflag:s15] =	ssyncadd.s32 $0xFFFFF000  }
0x6b: {  	[spmem:s5] =	stream.linear.scatter [tilespmem:s14], [sflag:$0x3], $0x1000, $0x38;
	[tilespmem:$0x1A780] =	vst v63  }
0x6c: {  	_ =	swait.ge [sflag:s15], $0x1000  }
0x6d: {  	[sflag:s15] =	ssyncset.done $0x0  }
0x6e: {  	s10 =	rddreg [dreg:$0x19];
	[sflag:s15] =	ssyncadd.s32 $0xFFFFF000  }
0x6f: {  	[spmem:s10] =	stream.linear.scatter [tilespmem:s14], [sflag:$0x3], $0x1000, $0x38;
	[tilespmem:$0x1A780] =	vst v63  }
0x70: {  	_ =	swait.ge [sflag:s15], $0x1000  }
0x71: {  	[sflag:s15] =	ssyncset.done $0x0  }
0x72: {  	s11 =	rddreg [dreg:$0x1a];
	[sflag:s15] =	ssyncadd.s32 $0xFFFFF000  }
0x73: {  	[spmem:s11] =	stream.linear.scatter [tilespmem:s14], [sflag:$0x3], $0x1000, $0x38;
	[tilespmem:$0x1A780] =	vst v63  }
0x74: {  	_ =	swait.ge [sflag:s15], $0x1000  }
0x75: {  	[sflag:s15] =	ssyncset.done $0x0  }
0x76: {  	s12 =	rddreg [dreg:$0x1b];
	[sflag:s15] =	ssyncadd.s32 $0xFFFFF000  }
0x77: {  	[spmem:s12] =	stream.linear.scatter [tilespmem:s14], [sflag:$0x3], $0x1000, $0x38;
	[tilespmem:$0x1A780] =	vst v63  }
0x78: {  	_ =	swait.ge [sflag:s15], $0x1000  }
0x79: {  	[sflag:s15] =	ssyncset.done $0x0  }
0x7a: {  	s16 =	rddreg [dreg:$0x1c];
	[sflag:s15] =	ssyncadd.s32 $0xFFFFF000  }
0x7b: {  	[spmem:s16] =	stream.linear.scatter [tilespmem:s14], [sflag:$0x3], $0x1000, $0x38;
	[tilespmem:$0x1A780] =	vst v63  }
0x7c: {  	_ =	swait.ge [sflag:s15], $0x1000  }
0x7d: {  	[sflag:s15] =	ssyncset.done $0x0  }
0x7e: {  	s29 =	rddreg [dreg:$0x6];
	[sflag:s15] =	ssyncadd.s32 $0xFFFFF000  }
0x7f: {  	[spmem:s29] =	stream.linear.scatter [tilespmem:s14], [sflag:$0x3], $0xC00, $0x38;
	[tilespmem:$0x1A780] =	vst v63  }
0x80: {  	_ =	swait.ge [sflag:s15], $0xC00  }
0x81: {  	[sflag:s15] =	ssyncset.done $0x0  }
0x82: {  	s0 =	simm.s32 @!p1 $0x4180;
	s1 =	rddreg [dreg:$0x7];
	[sflag:s15] =	ssyncadd.s32 $0xFFFFF400  }
0x83: {  	[spmem:s1] =	stream.linear.scatter @!p1 [tilespmem:s0], [sflag:$0x3], $0x1000, $0x38;
	[tilespmem:$0x1A780] =	vst v63  }
0x84: {  	s0 =	simm.s32 @!p1 $0x3  }
0x85: {  	_ =	swait.ge @!p1 [sflag:s0], $0x1000  }
0x86: {  	[sflag:s0] =	ssyncset.done @!p1 $0x0  }
0x87: {  	[sflag:s0] =	ssyncadd.s32 @!p1 $0xFFFFF000  }
0x88: {  	s31 =	simm.s32 $0x0;
	[bflag:$0x0] =	sbarrier.arrive $0xFFFF  }
.LBB2_4:
0x89: {  	s0 =	sshll.u32 s31, $0x5  }
0x8a: {  	s0 =	sadd.s32 s13, s0  }
0x8b: {  	s2 =	rddreg [dreg:$0x1];
	s1 =	sshrl.u32 s0, $0x3  }
0x8c: {  	s2 =	sadd.s32 s2, s1  }
0x8d: {  	[tilespmem:s30], [sflag:$0x3] =	stream.linear.gather [hbm4b:s2+s30], $0x20, $0x38;
	[tilespmem:$0x1A780] =	vst v63  }
0x8e: {  	_ =	swait.ge [sflag:s15], $0x20  }
0x8f: {  	[sflag:s15] =	ssyncset.done $0x0  }
0x90: {  	s16 =	simm.s32 $0x80;
	s1 =	sadd.s32 s9, s1;
	[sflag:s15] =	ssyncadd.s32 $0xFFFFFFE0  }
0x91: {  	[tilespmem:s16], [sflag:$0x3] =	stream.linear.gather [hbm4b:s1+s30], $0x20, $0x38;
	[tilespmem:$0x1A780] =	vst v63  }
0x92: {  	_ =	swait.ge [sflag:s15], $0x20  }
0x93: {  	[sflag:s15] =	ssyncset.done $0x0  }
0x94: {  	[sflag:s15] =	ssyncadd.s32 $0xFFFFFFE0  }
0x95: {  	[tilespmem:s18], [sflag:$0x1] =	stream.indirect.gather [hbm4b:s6+s17], $0x80, s30, s17, $0xb8;
	[tilespmem:$0x1A780] =	vst v63  }
0x96: {  	v5 =	vld [tilespmem:$0x80];
	_ =	sdelay $0x4  }
0x97: {  	v6 =	vshll.u32 v5, $0x1  }
0x98: {  	v5 =	vand.u32 $0x7, v5;
	v6 =	vand.u32 $0xFFFFFFF0, v6  }
0x99: {  	v5 =	vor.u32 v5, v6  }
0x9a: {  	v6 =	vperm.xlane v5, v2;
	_ =	sdelay $0x1  }
0x9b: {  	v5 =	vperm.xlane v5, v4;
	v6 =	vadd.s32 v3, v6;
	_ =	sdelay $0x1  }
0x9c: {  	v5 =	vadd.s32 v3, v5;
	_ =	sdelay $0x2  }
0x9d: {  	[tilespmem:s19], [sflag:$0x2] =	stream.indirect_vreg.gather [hbm4b:s7+s30], $0x80, v6, vm0, $0xb8;
	[tilespmem:$0x1A780] =	vst v63  }
0x9e: {  	_ = 	snop  }
0x9f: {  	[tilespmem:s20], [sflag:$0x2] =	stream.indirect_vreg.gather [hbm4b:s7+s30], $0x80, v5, vm0, $0xb8;
	[tilespmem:$0x1A780] =	vst v63  }
0xa0: {  	v5 =	vld [tilespmem:$0x90];
	_ =	sdelay $0x4  }
0xa1: {  	v6 =	vshll.u32 v5, $0x1  }
0xa2: {  	v5 =	vand.u32 $0x7, v5;
	v6 =	vand.u32 $0xFFFFFFF0, v6  }
0xa3: {  	v5 =	vor.u32 v5, v6  }
0xa4: {  	v6 =	vperm.xlane v5, v2;
	_ =	sdelay $0x1  }
0xa5: {  	v5 =	vperm.xlane v5, v4;
	v6 =	vadd.s32 v3, v6;
	_ =	sdelay $0x1  }
0xa6: {  	v5 =	vadd.s32 v3, v5;
	_ =	sdelay $0x2  }
0xa7: {  	[tilespmem:s21], [sflag:$0x2] =	stream.indirect_vreg.gather [hbm4b:s7+s30], $0x80, v6, vm0, $0xb8;
	[tilespmem:$0x1A780] =	vst v63  }
0xa8: {  	s0 =	sshll.u32 s0, $0x4  }
0xa9: {  	[tilespmem:s22], [sflag:$0x2] =	stream.indirect_vreg.gather [hbm4b:s7+s30], $0x80, v5, vm0, $0xb8;
	[tilespmem:$0x1A780] =	vst v63  }
0xaa: {  	s0 =	sadd.s32 s8, s0  }
0xab: {  	[tilespmem:s23], [sflag:$0x3] =	stream.linear.gather [hbm4b:s0+s30], $0x1000, $0x38;
	[tilespmem:$0x1A780] =	vst v63  }
0xac: {  	_ =	swait.ge [sflag:s15], $0x1000  }
0xad: {  	[sflag:s15] =	ssyncset.done $0x0  }
0xae: {  	[sflag:s15] =	ssyncadd.s32 $0xFFFFF000  }
0xaf: {  	v5 =	vld [tilespmem:$0x0]  }
0xb0: {  	v6 =	vld [tilespmem:$0x10];
	_ =	sdelay $0x3  }
0xb1: {  	v5 =	vshra.s32 v5, $0x5  }
0xb2: {  	[tilespmem:$0x100] =	vst v5;
	v5 =	vshra.s32 v6, $0x5  }
0xb3: {  	[tilespmem:$0x110] =	vst v5  }
0xb4: {  	_ =	swait.ge [sflag:s24], $0x1000  }
0xb5: {  	[sflag:s24] =	ssyncset.done $0x0  }
0xb6: {  	s5 =	simm.s32 $0x41C0;
	[sflag:s24] =	ssyncadd.s32 $0xFFFFF000  }
0xb7: {  	s11 =	simm.s32 $0x51C0;
	s12 =	simm.s32 $0x1C0;
	_ =	swait.ge [sflag:s25], $0x2000  }
0xb8: {  	s10 =	simm.s32 $0x0;
	s29 =	simm.s32 $0x0;
	[sflag:s25] =	ssyncset.done $0x0  }
0xb9: {  	s1 =	simm.s32 $0x0;
	s0 =	simm.s32 $0x31A0;
	[sflag:s25] =	ssyncadd.s32 $0xFFFFE000  }
.LBB2_5:
0xba: {  	v5 =	vld [tilespmem:s12+$0xFFFFFFC0];
	s2 =	sand.u32 $0x1800, s29;
	s3 =	sand.u32 $0x380, s10  }
0xbb: {  	v6 =	vld [tilespmem:s12+$0xFFFFFFD0];
	s2 =	sor.u32 s3, s2  }
0xbc: {  	v7 =	vld [tilespmem:s2+$0x1180]  }
0xbd: {  	v8 =	vld [tilespmem:s2+$0x1190]  }
0xbe: {  	v9 =	vld [tilespmem:s0+$0xFFFFFFE0]  }
0xbf: {  	v10 =	vld [tilespmem:s0+$0xFFFFFFF0];
	_ =	sdelay $0x2  }
0xc0: {  	v5 =	vmul.f32 v7, v5;
	v6 =	vmul.f32 v8, v6;
	_ =	sdelay $0x1  }
0xc1: {  	v5 =	vmul.f32 v5, v9;
	v6 =	vmul.f32 v6, v10;
	_ =	sdelay $0x1  }
0xc2: {  	v52 =	vld [tilespmem:s2+$0x11B0];
	v5 =	vadd.f32 v6, v5  }
0xc3: {  	v7 =	vld [tilespmem:s2+$0x11A0]  }
0xc4: {  	v6 =	vld [tilespmem:s12+$0xFFFFFFE0];
	(xrf2) =	vadd.scan.msk.f32 $0xffff, v5  }
0xc5: {  	v5 =	vld [tilespmem:s12+$0xFFFFFFF0];
	_ =	sdelay $0x4  }
0xc6: {  	v6 =	vmul.f32 v7, v6;
	v5 =	vmul.f32 v52, v5;
	_ =	sdelay $0x1  }
0xc7: {  	v6 =	vmul.f32 v6, v9;
	v5 =	vmul.f32 v5, v10  }
0xc8: {  	v53 =	vld [tilespmem:s12+$0x0]  }
0xc9: {  	v5 =	vadd.f32 v5, v6;
	v6 =	vld [tilespmem:s12+$0x10];
	v7, _, _ =	vpop (xrf2)  }
0xca: {  	(v2sf) =	vpush v7, $0xF;
	v7 =	vld [tilespmem:s2+$0x11C0]  }
0xcb: {  	(xrf2) =	vadd.scan.msk.f32 $0xffff, v5;
	v5 =	vld [tilespmem:s2+$0x11D0];
	_ =	sdelay $0x4  }
0xcc: {  	v7 =	vmul.f32 v7, v53;
	v5 =	vmul.f32 v5, v6;
	_ =	sdelay $0x1  }
0xcd: {  	v6 =	vmul.f32 v7, v9;
	v5 =	vmul.f32 v5, v10  }
0xce: {  	v11 =	vld [tilespmem:s2+$0x11E0]  }
0xcf: {  	v7 =	vld [tilespmem:s12+$0x20];
	v5 =	vadd.f32 v5, v6  }
0xd0: {  	v6 =	vld [tilespmem:s12+$0x30];
	v54, _, _ =	vpop (xrf2)  }
0xd1: {  	(v2sf) =	vpush v54, $0xF;
	(xrf2) =	vadd.scan.msk.f32 $0xffff, v5;
	v5 =	vld [tilespmem:s2+$0x11F0];
	_ =	sdelay $0x2  }
0xd2: {  	s16 =	spop (v2sf)  }
0xd3: {  	v7 =	vmul.f32 v11, v7;
	s3 =	smul.f32 $1.767766920e-01, s16  }
0xd4: {  	v5 =	vmul.f32 v5, v6  }
0xd5: {  	v7 =	vmul.f32 v7, v9;
	v55 =	vmov s3  }
0xd6: {  	v5 =	vmul.f32 v5, v10;
	v6 =	vmul.f32 $1.442695020e+00, v55;
	_ =	sdelay $0x1  }
0xd7: {  	v5 =	vadd.f32 v5, v7;
	v6 =	vbroadcast v6, $0x0  }
0xd8: {  	v7, _, _ =	vpop (xrf2)  }
0xd9: {  	(v2sf) =	vpush v7, $0xF;
	(xrf2) =	vadd.scan.msk.f32 $0xffff, v5;
	(erf) = vpow2.f32 v6;
	_ =	sdelay $0x1  }
0xda: {  	v56 =	vld [tilespmem:s2+$0x1590]  }
0xdb: {  	v5 =	vld [tilespmem:s0+$0x0]  }
0xdc: {  	v7 =	vld [tilespmem:s2+$0x1580];
	s16 =	spop (v2sf)  }
0xdd: {  	v6 =	vld [tilespmem:s0+$0x10];
	s3 =	smul.f32 $1.767766920e-01, s16;
	_ =	sdelay $0x1  }
0xde: {  	v57 =	vmov s3  }
0xdf: {  	v9 =	vmul.f32 $1.442695020e+00, v57  }
0xe0: {  	v7 =	vmul.f32 v7, v5;
	v58 =	vpop (erf)  }
0xe1: {  	v8 =	vmul.f32 v56, v6;
	v9 =	vbroadcast v9, $0x0;
	v59, _, _ =	vpop (xrf2)  }
0xe2: {  	(v2sf) =	vpush v59, $0xF;
	v7 =	vmul.f32 v7, v58  }
0xe3: {  	v8 =	vmul.f32 v8, v58;
	(erf) = vpow2.f32 v9  }
0xe4: {  	[tilespmem:s5+$0xFFFFFFC0] =	vst v7  }
0xe5: {  	[tilespmem:s5+$0xFFFFFFD0] =	vst v8  }
0xe6: {  	v7 =	vld [tilespmem:s2+$0x15A0];
	s16 =	spop (v2sf)  }
0xe7: {  	v8 =	vld [tilespmem:s2+$0x15B0];
	s3 =	smul.f32 $1.767766920e-01, s16;
	_ =	sdelay $0x1  }
0xe8: {  	v60 =	vmov s3  }
0xe9: {  	v9 =	vmul.f32 $1.442695020e+00, v60  }
0xea: {  	v7 =	vmul.f32 v7, v5  }
0xeb: {  	v8 =	vmul.f32 v8, v6;
	v61 =	vpop (erf);
	v9 =	vbroadcast v9, $0x0  }
0xec: {  	v7 =	vmul.f32 v7, v61  }
0xed: {  	v8 =	vmul.f32 v8, v61;
	(erf) = vpow2.f32 v9  }
0xee: {  	[tilespmem:s5+$0xFFFFFFE0] =	vst v7  }
0xef: {  	[tilespmem:s5+$0xFFFFFFF0] =	vst v8  }
0xf0: {  	v7 =	vld [tilespmem:s2+$0x15C0];
	s16 =	spop (v2sf)  }
0xf1: {  	v8 =	vld [tilespmem:s2+$0x15D0];
	s3 =	smul.f32 $1.767766920e-01, s16;
	_ =	sdelay $0x1  }
0xf2: {  	v62 =	vmov s3  }
0xf3: {  	v9 =	vmul.f32 $1.442695020e+00, v62  }
0xf4: {  	v7 =	vmul.f32 v7, v5  }
0xf5: {  	v8 =	vmul.f32 v8, v6;
	v12 =	vpop (erf);
	v9 =	vbroadcast v9, $0x0  }
0xf6: {  	v7 =	vmul.f32 v7, v12  }
0xf7: {  	v8 =	vmul.f32 v8, v12;
	(erf) = vpow2.f32 v9  }
0xf8: {  	[tilespmem:s5+$0x0] =	vst v7  }
0xf9: {  	[tilespmem:s5+$0x10] =	vst v8  }
0xfa: {  	v7 =	vld [tilespmem:s2+$0x15E0]  }
0xfb: {  	v8 =	vld [tilespmem:s2+$0x15F0];
	_ =	sdelay $0x3  }
0xfc: {  	v5 =	vmul.f32 v7, v5  }
0xfd: {  	v63 =	vmov s1;
	v6 =	vmul.f32 v8, v6;
	v7 =	vpop (erf)  }
0xfe: {  	v5 =	vmul.f32 v5, v7  }
0xff: {  	v6 =	vmul.f32 v6, v7  }
0x100: {  	[tilespmem:s5+$0x20] =	vst v5  }
0x101: {  	[tilespmem:s5+$0x30] =	vst v6  }
0x102: {  	v5 =	vld.idx.msk [tilespmem:v63+s4+$0x0], $0xffff;
	_ =	sdelay $0x4  }
0x103: {  	v5 =	vxor.u32 $0x80000000, v5  }
0x104: {  	(xrf0) =	vmax.scan.msk.u32 $0xffff, v5;
	_ =	sdelay $0x5  }
0x105: {  	v5, _, _ =	vpop (xrf0)  }
0x106: {  	(v2sf) =	vpush v5, $0xF;
	_ =	sdelay $0xe  }
0x107: {  	s2 =	spop (v2sf)  }
0x108: {  	s16 =	sshll.u32 s2, $0x2  }
0x109: {  	s3 =	sand.u32 $0xC, s16  }
0x10a: {  	v5 =	vmov s3;
	s16 =	sor.u32 $0x1, s3  }
0x10b: {  	vm1 =	veq.s32 v5, v0;
	v5 =	vmov s16;
	s16 =	sor.u32 $0x2, s3  }
0x10c: {  	s3 =	sor.u32 $0x3, s3;
	v6 =	vnsel vm1, $0x0, v58;
	vm1 =	veq.s32 v5, v0;
	v5 =	vmov s16  }
0x10d: {  	s2 =	sshrl.u32 s2, $0x2;
	v6 =	vsel vm1, v61, v6;
	vm1 =	veq.s32 v5, v0;
	v5 =	vmov s3  }
0x10e: {  	s2 =	sand.u32 $0x7, s2;
	v6 =	vsel vm1, v12, v6;
	vm1 =	veq.s32 v5, v0  }
0x10f: {  	p2 =	seq.s32 s2, $0x0;
	v5 =	vsel vm1, v7, v6  }
0x110: {  	p4 =	seq.s32 s2, $0x1;
	v6 =	vpsel !p2, $0x0, v5  }
0x111: {  	p5 =	seq.s32 s2, $0x2;
	[tilespmem:s11+$0xFFFFFFC0] =	vst v6;
	v6 =	vpsel !p4, $0x0, v5  }
0x112: {  	p6 =	seq.s32 s2, $0x3;
	[tilespmem:s11+$0xFFFFFFD0] =	vst v6;
	v6 =	vpsel !p5, $0x0, v5  }
0x113: {  	p3 =	seq.s32 s2, $0x4;
	p2 =	sne.s32 s1, $0x1F;
	[tilespmem:s11+$0xFFFFFFE0] =	vst v6;
	v6 =	vpsel !p6, $0x0, v5  }
.Ltmp1:
0x114: {  	p4 =	seq.s32 s2, $0x5;
	[tilespmem:s11+$0xFFFFFFF0] =	vst v6;
	v6 =	vpsel !p3, $0x0, v5;
	(pc) =	sbr.rel @p2 .LBB2_5-.Ltmp1, $4  }
0x115: {  	p5 =	seq.s32 s2, $0x6;
	[tilespmem:s11+$0x0] =	vst v6;
	v6 =	vpsel !p4, $0x0, v5  }
0x116: {  	s29 =	sadd.s32 $0x100, s29;
	p6 =	seq.s32 s2, $0x7;
	[tilespmem:s11+$0x10] =	vst v6;
	v6 =	vpsel !p5, $0x0, v5  }
0x117: {  	s10 =	sadd.s32 $0x80, s10;
	s12 =	sadd.s32 $0x80, s12;
	s0 =	sadd.s32 $0x80, s0;
	v5 =	vpsel !p6, $0x0, v5;
	[tilespmem:s11+$0x20] =	vst v6  }
0x118: {  	s5 =	sadd.s32 $0x80, s5;
	s1 =	sadd.s32 $0x1, s1;
	[tilespmem:s11+$0x30] =	vst v5;
	s11 =	sadd.s32 $0x80, s11  }
0x119: {  	s0 =	rddreg [dreg:$0x2]  }
0x11a: {  	[spmem:s0] =	stream.indirect.scatter.add.f32 [tilespmem:s14], [sflag:$0x3], $0x80, s4, s17, $0xb8;
	[tilespmem:$0x1A780] =	vst v63  }
0x11b: {  	_ =	swait.ge [sflag:s15], $0x1000  }
0x11c: {  	s31 =	sadd.s32 $0x1, s31;
	[sflag:s15] =	ssyncset.done $0x0  }
0x11d: {  	p2 =	sne.s32 s31, $0x140;
	[sflag:s15] =	ssyncadd.s32 $0xFFFFF000  }
.Ltmp2:
0x11e: {  	s29 =	rddreg [dreg:$0x3];
	(pc) =	sbr.rel @p2 .LBB2_4-.Ltmp2, $4  }
0x11f: {  	[spmem:s29] =	stream.indirect.scatter.add.f32 [tilespmem:s28], [sflag:$0x3], $0x80, s26, s17, $0xb8;
	[tilespmem:$0x1A780] =	vst v63  }
0x120: {  	_ =	swait.ge [sflag:s15], $0x1000  }
0x121: {  	[sflag:s15] =	ssyncset.done $0x0  }
0x122: {  	[sflag:s15] =	ssyncadd.s32 $0xFFFFF000  }
0x123: {  	s0 =	stileid.u32;
	[bflag:$0x0] =	sbarrier.arrive $0xFFFF  }
0x124: {  	s0 =	sshll.u32 s0, $0x6;
	s3 =	rddreg [dreg:$0x5]  }
0x125: {  	s2 =	rddreg [dreg:$0x8];
	s0 =	sor.u32 $0x1C03, s0;
	s1 =	sshrl.u32 s3, $0x3  }
0x126: {  	[hbm:s2], [sflag:s0] =	dma.local [spmem:s1], $0x2780  }
0x127: {  	_ =	swait.ge [sflag:s15], $0x2780  }
0x128: {  	[sflag:s15] =	ssyncset.done $0x0  }
0x129: {  	[sflag:s15] =	ssyncadd.s32 $0xFFFFD880  }
0x12a: {  	s1 =	rddreg [dreg:$0x3]  }
0x12b: {  	s2 =	rddreg [dreg:$0x9];
	s1 =	sshrl.u32 @!p0 s1, $0x3  }
0x12c: {  	[hbm:s2], [sflag:s0] =	dma.local @!p0 [spmem:s1], $0x1400  }
0x12d: {  	s0 =	simm.s32 @!p0 $0x3  }
0x12e: {  	_ =	swait.ge @!p0 [sflag:s0], $0x1400  }
0x12f: {  	s29 =	rddreg [dreg:$0x1d]  }
0x130: {  	s31 =	rddreg [dreg:$0xa];
	s2 =	sadd.s32 $0x1, s29  }
0x131: {  	p2 =	sne.s32 s2, s31  }
.Ltmp3:
0x132: {  	_ = 	snop;
	(pc) =	sbr.rel @p2 .LBB2_1-.Ltmp3, $3  }
0x133: {  	_ =	sdelay $0x1  }
0x134: {  	[sflag:s0] =	ssyncset.done @!p0 $0x0  }
0x135: {  	[sflag:s0] =	ssyncadd.s32 @!p0 $0xFFFFEC00  }
0x136: {  	_ =	sfence.sel $0x180000  }
0x137: {  	[bflag:$0x0] =	sbarrier.arrive $0xFFFF  }
0x138: {  	_ =	strace $0x90000047  }
0x139: {  	[bflag:$0x2] =	sbarrier.arrive $0xFFFF  }
0x13a: {  	s0 =	rddreg [dreg:$0x4]  }
0x13b: {  	s0 =	sadd.s32 @!p0 $0x100000, s0  }
0x13c: {  	[sflag:s0] =	ssyncadd.tile.s32 @!p0 $0x1;
	_ =	shalt  }
.Lfunc_end2:
_tile_overlayer_lowered:
.L_overlay_start_2:
0x13d: {  	(tag) =	ssettag $0x2  }
0x13e: {  	s0 =	rddreg [dreg:$0x0];
	s2 =	stileid.u32  }
0x13f: {  	s1 =	rddreg [dreg:$0x1];
	p0 =	sne.s32 s2, $0x0  }
0x140: {  	s3 =	rddreg [dreg:$0x2];
	[bflag:$0x3] =	sbarrier.arrive $0xFFFF;
	s2 =	simm.s32 @!p0 $0x1C03  }
0x141: {  	[timem:s3], [sflag:s2] =	dma.local @!p0 [hbm:s0], s1  }
0x142: {  	s0 =	simm.s32 @!p0 $0x3  }
0x143: {  	_ =	swait.ge @!p0 [sflag:s0], s1  }
0x144: {  	s1 =	ssub.s32 @!p0 $0x0, s1;
	[sflag:s0] =	ssyncset.done @!p0 $0x0  }
0x145: {  	[sflag:s0] =	ssyncadd.s32 @!p0 s1  }
0x146: {  	[bflag:$0x3] =	sbarrier.arrive $0xFFFF  }
0x147: {  	_ =	shalt  }

</sc_bundles>
